<compile_context>
chip_gen: v7x
topology: tpu7x:2x2x1
jax: 0.10.2.dev20260603
libtpu: 0.0.44.dev20260713+nightly
codegen_flags: <defaults>
</compile_context>

<pallas_src>
import functools

import jax
import jax.numpy as jnp
from jax import lax
from jax.experimental import pallas as pl
from jax.experimental.pallas import tpu as pltpu
from jax.experimental.pallas import tpu_sc as plsc

N = 10000
E = 160000
BATCH = 8
C = 256
HALF = 128

NC = 2
NS = 16
LANES = 16

EPT_B = E // NS
WIN = 32
NFULL = EPT_B // WIN
TAIL = EPT_B - NFULL * WIN
RING = 8
DEPTH = 6
WINA = 64
E_PAD_A = 163840
EPT_A = E_PAD_A // (NC * NS)
NWIN_A = EPT_A // WINA

NPAD = 10240
ACC_ROWS = 10000
ROWS_PT = 640
ROWS_LAST = N - (NS - 1) * ROWS_PT

RSHIFT = 14
CMASK = (1 << RSHIFT) - 1

_mesh = plsc.VectorSubcoreMesh(core_axis_name="c", subcore_axis_name="s")


def _deg_body(col_hbm, deg_hbm, colv, onesw, fillv, deg_sh):
    c = lax.axis_index("c")
    s = lax.axis_index("s")
    one = jnp.full((LANES,), 1.0, dtype=jnp.float32)
    for k in range(WINA // LANES):
        onesw[pl.ds(k * LANES, LANES)] = one
    for k in range(ROWS_PT // LANES):
        fillv[pl.ds(k * LANES, LANES)] = one
    pltpu.sync_copy(fillv, deg_sh.at[pl.ds(s * ROWS_PT, ROWS_PT)])
    plsc.subcore_barrier()
    wid = c * NS + s
    pltpu.sync_copy(col_hbm.at[pl.ds(wid * NWIN_A, NWIN_A)], colv)

    def jbody(j, carry):
        pltpu.sync_copy(onesw, deg_sh.at[colv.at[j]], add=True)
        return carry

    lax.fori_loop(0, NWIN_A, jbody, 0)
    plsc.subcore_barrier()
    pltpu.sync_copy(deg_sh.at[pl.ds(s * ROWS_PT, ROWS_PT)],
                    deg_hbm.at[c, pl.ds(s * ROWS_PT, ROWS_PT)])


_deg = functools.partial(
    pl.kernel,
    out_type=jax.ShapeDtypeStruct((NC, NPAD), jnp.float32),
    mesh=_mesh,
    scratch_types=[
        pltpu.VMEM((NWIN_A, WINA), jnp.int32),
        pltpu.VMEM((WINA,), jnp.float32),
        pltpu.VMEM((ROWS_PT,), jnp.float32),
        pltpu.VMEM_SHARED((NPAD,), jnp.float32),
    ],
)(_deg_body)


ROWS_TC = 5000
NBLK_N = N // ROWS_TC


def _lin_body(x_ref, wt_ref, bias_ref, d0_ref, d1_ref, y_ref, yb_ref):
    r = pl.program_id(0) % NBLK_N
    dinv = 1.0 / (d0_ref[r, :] + d1_ref[r, :] - 1.0)
    h = jnp.dot(x_ref[...], wt_ref[...], preferred_element_type=jnp.float32)
    y = h * dinv[:, None]
    y_ref[...] = y
    yb_ref[...] = y + bias_ref[0:1, :]


def _lin(x2, wt, bias2, d0, d1):
    grid = (BATCH * N) // ROWS_TC
    return pl.pallas_call(
        _lin_body,
        grid=(grid,),
        in_specs=[
            pl.BlockSpec((ROWS_TC, C), lambda i: (i, 0)),
            pl.BlockSpec((C, C), lambda i: (0, 0)),
            pl.BlockSpec((8, C), lambda i: (0, 0)),
            pl.BlockSpec((NBLK_N, ROWS_TC), lambda i: (0, 0)),
            pl.BlockSpec((NBLK_N, ROWS_TC), lambda i: (0, 0)),
        ],
        out_specs=[
            pl.BlockSpec((ROWS_TC, C), lambda i: (i, 0)),
            pl.BlockSpec((ROWS_TC, C), lambda i: (i, 0)),
        ],
        out_shape=[
            jax.ShapeDtypeStruct((BATCH * N, C), jnp.float32),
            jax.ShapeDtypeStruct((BATCH * N, C), jnp.float32),
        ],
    )(x2, wt, bias2, d0, d1)


def _agg_body(yflat, yb3, packed_hbm, out_hbm, *sc):
    pk = sc[0]
    gb = sc[1:1 + RING]
    idxb = sc[1 + RING:1 + 2 * RING]
    rwb = sc[1 + 2 * RING:1 + 3 * RING]
    gsem = sc[1 + 3 * RING:1 + 4 * RING]
    ssem = sc[1 + 4 * RING:1 + 5 * RING]
    acc = sc[1 + 5 * RING]
    gtail, idxtail, rwtail, tsem = sc[2 + 5 * RING:6 + 5 * RING]

    c = lax.axis_index("c")
    s = lax.axis_index("s")
    pltpu.sync_copy(packed_hbm.at[pl.ds(s * EPT_B, EPT_B)], pk)

    def prep(w, slot, base):
        off = pl.multiple_of(w * WIN, LANES)
        for k in range(WIN // LANES):
            v = pk[pl.ds(off + k * LANES, LANES)]
            rwb[slot][pl.ds(k * LANES, LANES)] = v >> RSHIFT
            idxb[slot][pl.ds(k * LANES, LANES)] = (v & CMASK) * 2 + base

    def fire_gather(slot):
        pltpu.async_copy(yflat.at[idxb[slot]], gb[slot], gsem[slot])

    def pass_body(bi, carry):
        base = bi * (2 * N) + c
        for slot in range(DEPTH):
            prep(slot, slot, base)
            fire_gather(slot)
        @pl.when(s < NS - 1)
        def _():
            pltpu.sync_copy(
                yb3.at[bi, pl.ds(s * ROWS_PT, ROWS_PT), pl.ds(c * HALF, HALF)],
                acc.at[pl.ds(s * ROWS_PT, ROWS_PT)])

        @pl.when(s == NS - 1)
        def _():
            pltpu.sync_copy(
                yb3.at[bi, pl.ds((NS - 1) * ROWS_PT, ROWS_LAST),
                       pl.ds(c * HALF, HALF)],
                acc.at[pl.ds((NS - 1) * ROWS_PT, ROWS_LAST)])

        plsc.subcore_barrier()

        def jbody(j, cc):
            for rr in range(RING):
                w = j * RING + rr
                rn = (rr + DEPTH) % RING
                pltpu.make_async_copy(yflat.at[idxb[rr]], gb[rr],
                                      gsem[rr]).wait()
                pltpu.async_copy(gb[rr], acc.at[rwb[rr]], ssem[rr], add=True)
                if rr < RING - DEPTH:
                    @pl.when(j > 0)
                    def _():
                        pltpu.make_async_copy(gb[rn], acc.at[rwb[rn]],
                                              ssem[rn]).wait()
                    prep(w + DEPTH, rn, base)
                    fire_gather(rn)
                else:
                    pltpu.make_async_copy(gb[rn], acc.at[rwb[rn]],
                                          ssem[rn]).wait()

                    @pl.when(j < NFULL // RING - 1)
                    def _():
                        prep(w + DEPTH, rn, base)
                        fire_gather(rn)
            return cc

        lax.fori_loop(0, NFULL // RING, jbody, 0)
        for k in range(TAIL // LANES):
            v = pk[pl.ds(NFULL * WIN + k * LANES, LANES)]
            rwtail[pl.ds(k * LANES, LANES)] = v >> RSHIFT
            idxtail[pl.ds(k * LANES, LANES)] = (v & CMASK) * 2 + base
        pltpu.async_copy(yflat.at[idxtail], gtail, tsem)
        for rr in range(DEPTH, RING):
            pltpu.make_async_copy(gb[rr], acc.at[rwb[rr]], ssem[rr]).wait()
        pltpu.make_async_copy(yflat.at[idxtail], gtail, tsem).wait()
        pltpu.sync_copy(gtail, acc.at[rwtail], add=True)
        plsc.subcore_barrier()

        @pl.when(s < NS - 1)
        def _():
            pltpu.sync_copy(
                acc.at[pl.ds(s * ROWS_PT, ROWS_PT)],
                out_hbm.at[bi, pl.ds(s * ROWS_PT, ROWS_PT), pl.ds(c * HALF, HALF)])

        @pl.when(s == NS - 1)
        def _():
            pltpu.sync_copy(
                acc.at[pl.ds((NS - 1) * ROWS_PT, ROWS_LAST)],
                out_hbm.at[bi, pl.ds((NS - 1) * ROWS_PT, ROWS_LAST),
                           pl.ds(c * HALF, HALF)])

        return carry

    lax.fori_loop(0, BATCH, pass_body, 0)


_agg = functools.partial(
    pl.kernel,
    out_type=jax.ShapeDtypeStruct((BATCH, N, C), jnp.float32),
    mesh=_mesh,
    scratch_types=(
        [pltpu.VMEM((EPT_B,), jnp.int32)]
        + [pltpu.VMEM((WIN, HALF), jnp.float32)] * RING
        + [pltpu.VMEM((WIN,), jnp.int32)] * RING
        + [pltpu.VMEM((WIN,), jnp.int32)] * RING
        + [pltpu.SemaphoreType.DMA] * (2 * RING)
        + [pltpu.VMEM_SHARED((ACC_ROWS, HALF), jnp.float32)]
        + [pltpu.VMEM((TAIL, HALF), jnp.float32),
           pltpu.VMEM((TAIL,), jnp.int32),
           pltpu.VMEM((TAIL,), jnp.int32),
           pltpu.SemaphoreType.DMA]
    ),
)(_agg_body)


def kernel(x, edge_index, edge_weight, W, b):
    del edge_weight
    row = edge_index[0].astype(jnp.int32)
    col = edge_index[1].astype(jnp.int32)
    ar_a = jnp.arange(E_PAD_A - E, dtype=jnp.int32)
    col_a = jnp.concatenate([col, 10016 + (ar_a % 224)]).reshape(
        E_PAD_A // WINA, WINA)
    packed = (row << RSHIFT) | col

    degp = _deg(col_a)
    d2 = degp[:, :N].reshape(NC, NBLK_N, ROWS_TC)
    x2 = x.reshape(BATCH * N, C)
    y2, yb2 = _lin(x2, W.T, jnp.broadcast_to(b.reshape(1, C), (8, C)),
                   d2[0], d2[1])
    yflat = y2.reshape(2 * BATCH * N, HALF)
    yb3 = yb2.reshape(BATCH, N, C)
    return _agg(yflat, yb3, packed)

# --- scband reference (transcript-rebuilt; emitter-appended) ---
"""Pipeline reference for scband-diffusion-conv-6674379178744 (READ-ONLY COPY).

The authoritative reference and input builder live on the scoring server;
editing this copy changes nothing except your own understanding.
"""

import jax, jax.numpy as jnp
import numpy as np

N_NODES = 10000
N_EDGES = 160000
B = 8
C_IN = 256
C_OUT = 256

def setup_inputs(seed: int = 0) -> dict:
    key = jax.random.key(seed)
    k1, k2, k3, k4, k5 = jax.random.split(key, 5)
    x = jax.random.normal(k1, (B, N_NODES, C_IN), dtype=jnp.float32)
    edge_index = jax.random.randint(k2, (2, N_EDGES), 0, N_NODES, dtype=jnp.int64)
    edge_weight = jax.random.uniform(k3, (N_EDGES,), dtype=jnp.float32)
    # nn.Linear(in_channels, out_channels) params
    bound = 1.0 / np.sqrt(C_IN)
    W = jax.random.uniform(k4, (C_OUT, C_IN), minval=-bound, maxval=bound, dtype=jnp.float32)
    b = jax.random.uniform(k5, (C_OUT,), minval=-bound, maxval=bound, dtype=jnp.float32)
    return {"x": x, "edge_index": edge_index, "edge_weight": edge_weight, "W": W, "b": b}


def reference(x, edge_index, edge_weight, W, b):
    # x: [B, N, C]; edge_index: [2, E]; edge_weight is accepted but unused (as in torch forward)
    B_, N, C = x.shape
    # add_self_loops
    loops = jnp.arange(N, dtype=edge_index.dtype)
    ei = jnp.concatenate([edge_index, jnp.stack([loops, loops], axis=0)], axis=1)
    row, col = ei[0], ei[1]
    # degree(col, N)
    deg = jnp.bincount(col, length=N).astype(x.dtype)
    deg_inv = jnp.where(deg > 0, 1.0 / deg, 0.0)
    norm = deg_inv[col]  # [E']
    # sparse A[row, col] = norm;  out = A @ x_t, x_t: [N, B, C]
    x_t = jnp.transpose(x, (1, 0, 2))  # [N, B, C]
    msgs = x_t[col] * norm[:, None, None]  # gather + scale, [E', B, C]
    agg = jax.ops.segment_sum(msgs, row, num_segments=N)  # scatter-add, [N, B, C]
    out = jnp.transpose(agg, (1, 0, 2))  # [B, N, C]
    return out @ W.T + b

if __name__ == "__main__":
    import jax
    _d = setup_inputs()
    print(jax.jit(kernel)(*tuple(_d.values())))

</pallas_src>

<mosaic_0001>
#map = affine_map<(d0, d1) -> (0, 0)>
#map1 = affine_map<(d0, d1) -> (0, 0, 0)>
#map2 = affine_map<(d0, d1) -> (0)>
module attributes {stable_mosaic.version = 14 : i64} {
  func.func @_agg_body(%arg0: i32, %arg1: i32, %arg2: memref<160000x128xf32, #tpu.memory_space<hbm>>, %arg3: memref<8x10000x256xf32, #tpu.memory_space<hbm>>, %arg4: memref<160000xi32, #tpu.memory_space<hbm>>, %arg5: memref<8x10000x256xf32, #tpu.memory_space<hbm>>, %arg6: memref<10000xi32, #tpu.memory_space<vmem>>, %arg7: memref<32x128xf32, #tpu.memory_space<vmem>>, %arg8: memref<32x128xf32, #tpu.memory_space<vmem>>, %arg9: memref<32x128xf32, #tpu.memory_space<vmem>>, %arg10: memref<32x128xf32, #tpu.memory_space<vmem>>, %arg11: memref<32x128xf32, #tpu.memory_space<vmem>>, %arg12: memref<32x128xf32, #tpu.memory_space<vmem>>, %arg13: memref<32x128xf32, #tpu.memory_space<vmem>>, %arg14: memref<32x128xf32, #tpu.memory_space<vmem>>, %arg15: memref<32xi32, #tpu.memory_space<vmem>>, %arg16: memref<32xi32, #tpu.memory_space<vmem>>, %arg17: memref<32xi32, #tpu.memory_space<vmem>>, %arg18: memref<32xi32, #tpu.memory_space<vmem>>, %arg19: memref<32xi32, #tpu.memory_space<vmem>>, %arg20: memref<32xi32, #tpu.memory_space<vmem>>, %arg21: memref<32xi32, #tpu.memory_space<vmem>>, %arg22: memref<32xi32, #tpu.memory_space<vmem>>, %arg23: memref<32xi32, #tpu.memory_space<vmem>>, %arg24: memref<32xi32, #tpu.memory_space<vmem>>, %arg25: memref<32xi32, #tpu.memory_space<vmem>>, %arg26: memref<32xi32, #tpu.memory_space<vmem>>, %arg27: memref<32xi32, #tpu.memory_space<vmem>>, %arg28: memref<32xi32, #tpu.memory_space<vmem>>, %arg29: memref<32xi32, #tpu.memory_space<vmem>>, %arg30: memref<32xi32, #tpu.memory_space<vmem>>, %arg31: memref<!tpu.dma_semaphore, #tpu.memory_space<semaphore_mem>>, %arg32: memref<!tpu.dma_semaphore, #tpu.memory_space<semaphore_mem>>, %arg33: memref<!tpu.dma_semaphore, #tpu.memory_space<semaphore_mem>>, %arg34: memref<!tpu.dma_semaphore, #tpu.memory_space<semaphore_mem>>, %arg35: memref<!tpu.dma_semaphore, #tpu.memory_space<semaphore_mem>>, %arg36: memref<!tpu.dma_semaphore, #tpu.memory_space<semaphore_mem>>, %arg37: memref<!tpu.dma_semaphore, #tpu.memory_space<semaphore_mem>>, %arg38: memref<!tpu.dma_semaphore, #tpu.memory_space<semaphore_mem>>, %arg39: memref<!tpu.dma_semaphore, #tpu.memory_space<semaphore_mem>>, %arg40: memref<!tpu.dma_semaphore, #tpu.memory_space<semaphore_mem>>, %arg41: memref<!tpu.dma_semaphore, #tpu.memory_space<semaphore_mem>>, %arg42: memref<!tpu.dma_semaphore, #tpu.memory_space<semaphore_mem>>, %arg43: memref<!tpu.dma_semaphore, #tpu.memory_space<semaphore_mem>>, %arg44: memref<!tpu.dma_semaphore, #tpu.memory_space<semaphore_mem>>, %arg45: memref<!tpu.dma_semaphore, #tpu.memory_space<semaphore_mem>>, %arg46: memref<!tpu.dma_semaphore, #tpu.memory_space<semaphore_mem>>, %arg47: memref<10000x128xf32, #tpu.memory_space<vmem_shared>>, %arg48: memref<16x128xf32, #tpu.memory_space<vmem>>, %arg49: memref<16xi32, #tpu.memory_space<vmem>>, %arg50: memref<16xi32, #tpu.memory_space<vmem>>, %arg51: memref<!tpu.dma_semaphore, #tpu.memory_space<semaphore_mem>>) attributes {dimension_semantics = [#tpu.dimension_semantics<core_parallel>, #tpu.dimension_semantics<subcore_parallel>], iteration_bounds = array<i64: 2, 16>, scalar_prefetch = 0 : i64, scratch_operands = 46 : i64, tpu.core_type = #tpu.core_type<sc_vector_subcore>, window_params = [{transform_indices = #map}, {transform_indices = #map1}, {transform_indices = #map2}, {transform_indices = #map1}]} {
    %mul3A = arith.constant 10000 : i32
    %mul3A_0 = arith.muli %arg1, %mul3A : i32
    "tpu.region"() ({
      %run_scoped3A = tpu.sem_alloc : memref<!tpu.dma_semaphore, #tpu.memory_space<semaphore_mem>>
      %dma_start3A = tpu.memref_slice %arg4[%mul3A_0] : memref<160000xi32, #tpu.memory_space<hbm>> -> memref<10000xi32, #tpu.memory_space<hbm>>
      %dma_start3A_6 = tpu.memref_slice %arg4[%mul3A_0] : memref<160000xi32, #tpu.memory_space<hbm>> -> memref<10000xi32, #tpu.memory_space<hbm>>
      tpu.enqueue_dma source(%dma_start3A_6 : memref<10000xi32, #tpu.memory_space<hbm>>) target(%arg6 : memref<10000xi32, #tpu.memory_space<vmem>>) target_semaphore(%run_scoped3A : memref<!tpu.dma_semaphore, #tpu.memory_space<semaphore_mem>>)
      %dma_wait3A = tpu.memref_slice %arg4[%mul3A_0] : memref<160000xi32, #tpu.memory_space<hbm>> -> memref<10000xi32, #tpu.memory_space<hbm>>
      %dma_wait3A_7 = tpu.memref_slice %arg4[%mul3A_0] : memref<160000xi32, #tpu.memory_space<hbm>> -> memref<10000xi32, #tpu.memory_space<hbm>>
      tpu.wait_dma2 semaphore(%run_scoped3A : memref<!tpu.dma_semaphore, #tpu.memory_space<semaphore_mem>>) src(%dma_wait3A_7 : memref<10000xi32, #tpu.memory_space<hbm>>) dst(%arg6 : memref<10000xi32, #tpu.memory_space<vmem>>)
      tpu.yield
    }) : () -> ()
    %scan3A = arith.constant 0 : i32
    %scan3A_1 = arith.constant 0 : i32
    %scan3A_2 = arith.constant 8 : i32
    %scan3A_3 = arith.addi %scan3A_1, %scan3A_2 : i32
    %scan3A_4 = arith.constant 1 : i32
    scf.for %scan3A_6 = %scan3A_1 to %scan3A_3 step %scan3A_4  : i32 {
      %mul3A_7 = arith.constant 20000 : i32
      %mul3A_8 = arith.muli %scan3A_6, %mul3A_7 : i32
      %add3A = arith.addi %mul3A_8, %arg0 : i32
      %multiple_of3A = arith.constant 0 : i32
      %multiple_of3A_9 = tpu.assume_multiple %multiple_of3A, 16 : i32
      %add3A_10 = arith.constant 0 : i32
      %add3A_11 = arith.addi %multiple_of3A_9, %add3A_10 : i32
      %get3A = arith.index_cast %add3A_11 : i32 to index
      %get3A_12 = tpu.vector_load %arg6[%get3A] {strides = array<i32>} : memref<10000xi32, #tpu.memory_space<vmem>>, vector<16xi32>,
      %get3A_13 = vector.shape_cast %get3A_12 : vector<16xi32> to vector<16xi32>
      %shift_right_arithmetic3A = arith.constant 14 : i32
      %shift_right_arithmetic3A_14 = vector.broadcast %shift_right_arithmetic3A : i32 to vector<16xi32>
      %shift_right_arithmetic3A_15 = arith.shrsi %get3A_13, %shift_right_arithmetic3A_14 : vector<16xi32>
      %swap3A = arith.constant 0 : index
      %swap3A_16 = tpu.vector_load %arg23[%swap3A] {strides = array<i32>} : memref<32xi32, #tpu.memory_space<vmem>>, vector<16xi32>,
      %swap3A_17 = vector.shape_cast %swap3A_16 : vector<16xi32> to vector<16xi32>
      %swap3A_18 = vector.shape_cast %shift_right_arithmetic3A_15 : vector<16xi32> to vector<16xi32>
      tpu.vector_store %arg23[%swap3A], %swap3A_18 {strides = array<i32>} : memref<32xi32, #tpu.memory_space<vmem>>, vector<16xi32>,
      %and3A = arith.constant 16383 : i32
      %and3A_19 = vector.broadcast %and3A : i32 to vector<16xi32>
      %and3A_20 = arith.andi %get3A_13, %and3A_19 : vector<16xi32>
      %mul3A_21 = arith.constant 2 : i32
      %mul3A_22 = vector.broadcast %mul3A_21 : i32 to vector<16xi32>
      %mul3A_23 = arith.muli %and3A_20, %mul3A_22 : vector<16xi32>
      %add3A_24 = vector.broadcast %add3A : i32 to vector<16xi32>
      %add3A_25 = arith.addi %mul3A_23, %add3A_24 : vector<16xi32>
      %swap3A_26 = arith.constant 0 : index
      %swap3A_27 = tpu.vector_load %arg15[%swap3A_26] {strides = array<i32>} : memref<32xi32, #tpu.memory_space<vmem>>, vector<16xi32>,
      %swap3A_28 = vector.shape_cast %swap3A_27 : vector<16xi32> to vector<16xi32>
      %swap3A_29 = vector.shape_cast %add3A_25 : vector<16xi32> to vector<16xi32>
      tpu.vector_store %arg15[%swap3A_26], %swap3A_29 {strides = array<i32>} : memref<32xi32, #tpu.memory_space<vmem>>, vector<16xi32>,
      %add3A_30 = arith.constant 16 : i32
      %add3A_31 = arith.addi %multiple_of3A_9, %add3A_30 : i32
      %get3A_32 = arith.index_cast %add3A_31 : i32 to index
      %get3A_33 = tpu.vector_load %arg6[%get3A_32] {strides = array<i32>} : memref<10000xi32, #tpu.memory_space<vmem>>, vector<16xi32>,
      %get3A_34 = vector.shape_cast %get3A_33 : vector<16xi32> to vector<16xi32>
      %shift_right_arithmetic3A_35 = arith.constant 14 : i32
      %shift_right_arithmetic3A_36 = vector.broadcast %shift_right_arithmetic3A_35 : i32 to vector<16xi32>
      %shift_right_arithmetic3A_37 = arith.shrsi %get3A_34, %shift_right_arithmetic3A_36 : vector<16xi32>
      %swap3A_38 = arith.constant 16 : index
      %swap3A_39 = tpu.vector_load %arg23[%swap3A_38] {strides = array<i32>} : memref<32xi32, #tpu.memory_space<vmem>>, vector<16xi32>,
      %swap3A_40 = vector.shape_cast %swap3A_39 : vector<16xi32> to vector<16xi32>
      %swap3A_41 = vector.shape_cast %shift_right_arithmetic3A_37 : vector<16xi32> to vector<16xi32>
      tpu.vector_store %arg23[%swap3A_38], %swap3A_41 {strides = array<i32>} : memref<32xi32, #tpu.memory_space<vmem>>, vector<16xi32>,
      %and3A_42 = arith.constant 16383 : i32
      %and3A_43 = vector.broadcast %and3A_42 : i32 to vector<16xi32>
      %and3A_44 = arith.andi %get3A_34, %and3A_43 : vector<16xi32>
      %mul3A_45 = arith.constant 2 : i32
      %mul3A_46 = vector.broadcast %mul3A_45 : i32 to vector<16xi32>
      %mul3A_47 = arith.muli %and3A_44, %mul3A_46 : vector<16xi32>
      %add3A_48 = vector.broadcast %add3A : i32 to vector<16xi32>
      %add3A_49 = arith.addi %mul3A_47, %add3A_48 : vector<16xi32>
      %swap3A_50 = arith.constant 16 : index
      %swap3A_51 = tpu.vector_load %arg15[%swap3A_50] {strides = array<i32>} : memref<32xi32, #tpu.memory_space<vmem>>, vector<16xi32>,
      %swap3A_52 = vector.shape_cast %swap3A_51 : vector<16xi32> to vector<16xi32>
      %swap3A_53 = vector.shape_cast %add3A_49 : vector<16xi32> to vector<16xi32>
      tpu.vector_store %arg15[%swap3A_50], %swap3A_53 {strides = array<i32>} : memref<32xi32, #tpu.memory_space<vmem>>, vector<16xi32>,
      %dma_start3A = arith.constant 0 : i32
      %dma_start3A_54 = arith.constant 0 : i32
      %dma_start3A_55 = tpu.memref_slice %arg2[%dma_start3A, %dma_start3A_54] : memref<160000x128xf32, #tpu.memory_space<hbm>> -> memref<160000x128xf32, #tpu.memory_space<hbm>>
      tpu.enqueue_indirect_dma source(%dma_start3A_55 : memref<160000x128xf32, #tpu.memory_space<hbm>>) target(%arg7 : memref<32x128xf32, #tpu.memory_space<vmem>>) offsets(%arg15 : memref<32xi32, #tpu.memory_space<vmem>>) semaphore(%arg31 : memref<!tpu.dma_semaphore, #tpu.memory_space<semaphore_mem>>)
      %multiple_of3A_56 = arith.constant 32 : i32
      %multiple_of3A_57 = tpu.assume_multiple %multiple_of3A_56, 16 : i32
      %add3A_58 = arith.constant 0 : i32
      %add3A_59 = arith.addi %multiple_of3A_57, %add3A_58 : i32
      %get3A_60 = arith.index_cast %add3A_59 : i32 to index
      %get3A_61 = tpu.vector_load %arg6[%get3A_60] {strides = array<i32>} : memref<10000xi32, #tpu.memory_space<vmem>>, vector<16xi32>,
      %get3A_62 = vector.shape_cast %get3A_61 : vector<16xi32> to vector<16xi32>
      %shift_right_arithmetic3A_63 = arith.constant 14 : i32
      %shift_right_arithmetic3A_64 = vector.broadcast %shift_right_arithmetic3A_63 : i32 to vector<16xi32>
      %shift_right_arithmetic3A_65 = arith.shrsi %get3A_62, %shift_right_arithmetic3A_64 : vector<16xi32>
      %swap3A_66 = arith.constant 0 : index
      %swap3A_67 = tpu.vector_load %arg24[%swap3A_66] {strides = array<i32>} : memref<32xi32, #tpu.memory_space<vmem>>, vector<16xi32>,
      %swap3A_68 = vector.shape_cast %swap3A_67 : vector<16xi32> to vector<16xi32>
      %swap3A_69 = vector.shape_cast %shift_right_arithmetic3A_65 : vector<16xi32> to vector<16xi32>
      tpu.vector_store %arg24[%swap3A_66], %swap3A_69 {strides = array<i32>} : memref<32xi32, #tpu.memory_space<vmem>>, vector<16xi32>,
      %and3A_70 = arith.constant 16383 : i32
      %and3A_71 = vector.broadcast %and3A_70 : i32 to vector<16xi32>
      %and3A_72 = arith.andi %get3A_62, %and3A_71 : vector<16xi32>
      %mul3A_73 = arith.constant 2 : i32
      %mul3A_74 = vector.broadcast %mul3A_73 : i32 to vector<16xi32>
      %mul3A_75 = arith.muli %and3A_72, %mul3A_74 : vector<16xi32>
      %add3A_76 = vector.broadcast %add3A : i32 to vector<16xi32>
      %add3A_77 = arith.addi %mul3A_75, %add3A_76 : vector<16xi32>
      %swap3A_78 = arith.constant 0 : index
      %swap3A_79 = tpu.vector_load %arg16[%swap3A_78] {strides = array<i32>} : memref<32xi32, #tpu.memory_space<vmem>>, vector<16xi32>,
      %swap3A_80 = vector.shape_cast %swap3A_79 : vector<16xi32> to vector<16xi32>
      %swap3A_81 = vector.shape_cast %add3A_77 : vector<16xi32> to vector<16xi32>
      tpu.vector_store %arg16[%swap3A_78], %swap3A_81 {strides = array<i32>} : memref<32xi32, #tpu.memory_space<vmem>>, vector<16xi32>,
      %add3A_82 = arith.constant 16 : i32
      %add3A_83 = arith.addi %multiple_of3A_57, %add3A_82 : i32
      %get3A_84 = arith.index_cast %add3A_83 : i32 to index
      %get3A_85 = tpu.vector_load %arg6[%get3A_84] {strides = array<i32>} : memref<10000xi32, #tpu.memory_space<vmem>>, vector<16xi32>,
      %get3A_86 = vector.shape_cast %get3A_85 : vector<16xi32> to vector<16xi32>
      %shift_right_arithmetic3A_87 = arith.constant 14 : i32
      %shift_right_arithmetic3A_88 = vector.broadcast %shift_right_arithmetic3A_87 : i32 to vector<16xi32>
      %shift_right_arithmetic3A_89 = arith.shrsi %get3A_86, %shift_right_arithmetic3A_88 : vector<16xi32>
      %swap3A_90 = arith.constant 16 : index
      %swap3A_91 = tpu.vector_load %arg24[%swap3A_90] {strides = array<i32>} : memref<32xi32, #tpu.memory_space<vmem>>, vector<16xi32>,
      %swap3A_92 = vector.shape_cast %swap3A_91 : vector<16xi32> to vector<16xi32>
      %swap3A_93 = vector.shape_cast %shift_right_arithmetic3A_89 : vector<16xi32> to vector<16xi32>
      tpu.vector_store %arg24[%swap3A_90], %swap3A_93 {strides = array<i32>} : memref<32xi32, #tpu.memory_space<vmem>>, vector<16xi32>,
      %and3A_94 = arith.constant 16383 : i32
      %and3A_95 = vector.broadcast %and3A_94 : i32 to vector<16xi32>
      %and3A_96 = arith.andi %get3A_86, %and3A_95 : vector<16xi32>
      %mul3A_97 = arith.constant 2 : i32
      %mul3A_98 = vector.broadcast %mul3A_97 : i32 to vector<16xi32>
      %mul3A_99 = arith.muli %and3A_96, %mul3A_98 : vector<16xi32>
      %add3A_100 = vector.broadcast %add3A : i32 to vector<16xi32>
      %add3A_101 = arith.addi %mul3A_99, %add3A_100 : vector<16xi32>
      %swap3A_102 = arith.constant 16 : index
      %swap3A_103 = tpu.vector_load %arg16[%swap3A_102] {strides = array<i32>} : memref<32xi32, #tpu.memory_space<vmem>>, vector<16xi32>,
      %swap3A_104 = vector.shape_cast %swap3A_103 : vector<16xi32> to vector<16xi32>
      %swap3A_105 = vector.shape_cast %add3A_101 : vector<16xi32> to vector<16xi32>
      tpu.vector_store %arg16[%swap3A_102], %swap3A_105 {strides = array<i32>} : memref<32xi32, #tpu.memory_space<vmem>>, vector<16xi32>,
      %dma_start3A_106 = arith.constant 0 : i32
      %dma_start3A_107 = arith.constant 0 : i32
      %dma_start3A_108 = tpu.memref_slice %arg2[%dma_start3A_106, %dma_start3A_107] : memref<160000x128xf32, #tpu.memory_space<hbm>> -> memref<160000x128xf32, #tpu.memory_space<hbm>>
      tpu.enqueue_indirect_dma source(%dma_start3A_108 : memref<160000x128xf32, #tpu.memory_space<hbm>>) target(%arg8 : memref<32x128xf32, #tpu.memory_space<vmem>>) offsets(%arg16 : memref<32xi32, #tpu.memory_space<vmem>>) semaphore(%arg32 : memref<!tpu.dma_semaphore, #tpu.memory_space<semaphore_mem>>)
      %multiple_of3A_109 = arith.constant 64 : i32
      %multiple_of3A_110 = tpu.assume_multiple %multiple_of3A_109, 16 : i32
      %add3A_111 = arith.constant 0 : i32
      %add3A_112 = arith.addi %multiple_of3A_110, %add3A_111 : i32
      %get3A_113 = arith.index_cast %add3A_112 : i32 to index
      %get3A_114 = tpu.vector_load %arg6[%get3A_113] {strides = array<i32>} : memref<10000xi32, #tpu.memory_space<vmem>>, vector<16xi32>,
      %get3A_115 = vector.shape_cast %get3A_114 : vector<16xi32> to vector<16xi32>
      %shift_right_arithmetic3A_116 = arith.constant 14 : i32
      %shift_right_arithmetic3A_117 = vector.broadcast %shift_right_arithmetic3A_116 : i32 to vector<16xi32>
      %shift_right_arithmetic3A_118 = arith.shrsi %get3A_115, %shift_right_arithmetic3A_117 : vector<16xi32>
      %swap3A_119 = arith.constant 0 : index
      %swap3A_120 = tpu.vector_load %arg25[%swap3A_119] {strides = array<i32>} : memref<32xi32, #tpu.memory_space<vmem>>, vector<16xi32>,
      %swap3A_121 = vector.shape_cast %swap3A_120 : vector<16xi32> to vector<16xi32>
      %swap3A_122 = vector.shape_cast %shift_right_arithmetic3A_118 : vector<16xi32> to vector<16xi32>
      tpu.vector_store %arg25[%swap3A_119], %swap3A_122 {strides = array<i32>} : memref<32xi32, #tpu.memory_space<vmem>>, vector<16xi32>,
      %and3A_123 = arith.constant 16383 : i32
      %and3A_124 = vector.broadcast %and3A_123 : i32 to vector<16xi32>
      %and3A_125 = arith.andi %get3A_115, %and3A_124 : vector<16xi32>
      %mul3A_126 = arith.constant 2 : i32
      %mul3A_127 = vector.broadcast %mul3A_126 : i32 to vector<16xi32>
      %mul3A_128 = arith.muli %and3A_125, %mul3A_127 : vector<16xi32>
      %add3A_129 = vector.broadcast %add3A : i32 to vector<16xi32>
      %add3A_130 = arith.addi %mul3A_128, %add3A_129 : vector<16xi32>
      %swap3A_131 = arith.constant 0 : index
      %swap3A_132 = tpu.vector_load %arg17[%swap3A_131] {strides = array<i32>} : memref<32xi32, #tpu.memory_space<vmem>>, vector<16xi32>,
      %swap3A_133 = vector.shape_cast %swap3A_132 : vector<16xi32> to vector<16xi32>
      %swap3A_134 = vector.shape_cast %add3A_130 : vector<16xi32> to vector<16xi32>
      tpu.vector_store %arg17[%swap3A_131], %swap3A_134 {strides = array<i32>} : memref<32xi32, #tpu.memory_space<vmem>>, vector<16xi32>,
      %add3A_135 = arith.constant 16 : i32
      %add3A_136 = arith.addi %multiple_of3A_110, %add3A_135 : i32
      %get3A_137 = arith.index_cast %add3A_136 : i32 to index
      %get3A_138 = tpu.vector_load %arg6[%get3A_137] {strides = array<i32>} : memref<10000xi32, #tpu.memory_space<vmem>>, vector<16xi32>,
      %get3A_139 = vector.shape_cast %get3A_138 : vector<16xi32> to vector<16xi32>
      %shift_right_arithmetic3A_140 = arith.constant 14 : i32
      %shift_right_arithmetic3A_141 = vector.broadcast %shift_right_arithmetic3A_140 : i32 to vector<16xi32>
      %shift_right_arithmetic3A_142 = arith.shrsi %get3A_139, %shift_right_arithmetic3A_141 : vector<16xi32>
      %swap3A_143 = arith.constant 16 : index
      %swap3A_144 = tpu.vector_load %arg25[%swap3A_143] {strides = array<i32>} : memref<32xi32, #tpu.memory_space<vmem>>, vector<16xi32>,
      %swap3A_145 = vector.shape_cast %swap3A_144 : vector<16xi32> to vector<16xi32>
      %swap3A_146 = vector.shape_cast %shift_right_arithmetic3A_142 : vector<16xi32> to vector<16xi32>
      tpu.vector_store %arg25[%swap3A_143], %swap3A_146 {strides = array<i32>} : memref<32xi32, #tpu.memory_space<vmem>>, vector<16xi32>,
      %and3A_147 = arith.constant 16383 : i32
      %and3A_148 = vector.broadcast %and3A_147 : i32 to vector<16xi32>
      %and3A_149 = arith.andi %get3A_139, %and3A_148 : vector<16xi32>
      %mul3A_150 = arith.constant 2 : i32
      %mul3A_151 = vector.broadcast %mul3A_150 : i32 to vector<16xi32>
      %mul3A_152 = arith.muli %and3A_149, %mul3A_151 : vector<16xi32>
      %add3A_153 = vector.broadcast %add3A : i32 to vector<16xi32>
      %add3A_154 = arith.addi %mul3A_152, %add3A_153 : vector<16xi32>
      %swap3A_155 = arith.constant 16 : index
      %swap3A_156 = tpu.vector_load %arg17[%swap3A_155] {strides = array<i32>} : memref<32xi32, #tpu.memory_space<vmem>>, vector<16xi32>,
      %swap3A_157 = vector.shape_cast %swap3A_156 : vector<16xi32> to vector<16xi32>
      %swap3A_158 = vector.shape_cast %add3A_154 : vector<16xi32> to vector<16xi32>
      tpu.vector_store %arg17[%swap3A_155], %swap3A_158 {strides = array<i32>} : memref<32xi32, #tpu.memory_space<vmem>>, vector<16xi32>,
      %dma_start3A_159 = arith.constant 0 : i32
      %dma_start3A_160 = arith.constant 0 : i32
      %dma_start3A_161 = tpu.memref_slice %arg2[%dma_start3A_159, %dma_start3A_160] : memref<160000x128xf32, #tpu.memory_space<hbm>> -> memref<160000x128xf32, #tpu.memory_space<hbm>>
      tpu.enqueue_indirect_dma source(%dma_start3A_161 : memref<160000x128xf32, #tpu.memory_space<hbm>>) target(%arg9 : memref<32x128xf32, #tpu.memory_space<vmem>>) offsets(%arg17 : memref<32xi32, #tpu.memory_space<vmem>>) semaphore(%arg33 : memref<!tpu.dma_semaphore, #tpu.memory_space<semaphore_mem>>)
      %multiple_of3A_162 = arith.constant 96 : i32
      %multiple_of3A_163 = tpu.assume_multiple %multiple_of3A_162, 16 : i32
      %add3A_164 = arith.constant 0 : i32
      %add3A_165 = arith.addi %multiple_of3A_163, %add3A_164 : i32
      %get3A_166 = arith.index_cast %add3A_165 : i32 to index
      %get3A_167 = tpu.vector_load %arg6[%get3A_166] {strides = array<i32>} : memref<10000xi32, #tpu.memory_space<vmem>>, vector<16xi32>,
      %get3A_168 = vector.shape_cast %get3A_167 : vector<16xi32> to vector<16xi32>
      %shift_right_arithmetic3A_169 = arith.constant 14 : i32
      %shift_right_arithmetic3A_170 = vector.broadcast %shift_right_arithmetic3A_169 : i32 to vector<16xi32>
      %shift_right_arithmetic3A_171 = arith.shrsi %get3A_168, %shift_right_arithmetic3A_170 : vector<16xi32>
      %swap3A_172 = arith.constant 0 : index
      %swap3A_173 = tpu.vector_load %arg26[%swap3A_172] {strides = array<i32>} : memref<32xi32, #tpu.memory_space<vmem>>, vector<16xi32>,
      %swap3A_174 = vector.shape_cast %swap3A_173 : vector<16xi32> to vector<16xi32>
      %swap3A_175 = vector.shape_cast %shift_right_arithmetic3A_171 : vector<16xi32> to vector<16xi32>
      tpu.vector_store %arg26[%swap3A_172], %swap3A_175 {strides = array<i32>} : memref<32xi32, #tpu.memory_space<vmem>>, vector<16xi32>,
      %and3A_176 = arith.constant 16383 : i32
      %and3A_177 = vector.broadcast %and3A_176 : i32 to vector<16xi32>
      %and3A_178 = arith.andi %get3A_168, %and3A_177 : vector<16xi32>
      %mul3A_179 = arith.constant 2 : i32
      %mul3A_180 = vector.broadcast %mul3A_179 : i32 to vector<16xi32>
      %mul3A_181 = arith.muli %and3A_178, %mul3A_180 : vector<16xi32>
      %add3A_182 = vector.broadcast %add3A : i32 to vector<16xi32>
      %add3A_183 = arith.addi %mul3A_181, %add3A_182 : vector<16xi32>
      %swap3A_184 = arith.constant 0 : index
      %swap3A_185 = tpu.vector_load %arg18[%swap3A_184] {strides = array<i32>} : memref<32xi32, #tpu.memory_space<vmem>>, vector<16xi32>,
      %swap3A_186 = vector.shape_cast %swap3A_185 : vector<16xi32> to vector<16xi32>
      %swap3A_187 = vector.shape_cast %add3A_183 : vector<16xi32> to vector<16xi32>
      tpu.vector_store %arg18[%swap3A_184], %swap3A_187 {strides = array<i32>} : memref<32xi32, #tpu.memory_space<vmem>>, vector<16xi32>,
      %add3A_188 = arith.constant 16 : i32
      %add3A_189 = arith.addi %multiple_of3A_163, %add3A_188 : i32
      %get3A_190 = arith.index_cast %add3A_189 : i32 to index
      %get3A_191 = tpu.vector_load %arg6[%get3A_190] {strides = array<i32>} : memref<10000xi32, #tpu.memory_space<vmem>>, vector<16xi32>,
      %get3A_192 = vector.shape_cast %get3A_191 : vector<16xi32> to vector<16xi32>
      %shift_right_arithmetic3A_193 = arith.constant 14 : i32
      %shift_right_arithmetic3A_194 = vector.broadcast %shift_right_arithmetic3A_193 : i32 to vector<16xi32>
      %shift_right_arithmetic3A_195 = arith.shrsi %get3A_192, %shift_right_arithmetic3A_194 : vector<16xi32>
      %swap3A_196 = arith.constant 16 : index
      %swap3A_197 = tpu.vector_load %arg26[%swap3A_196] {strides = array<i32>} : memref<32xi32, #tpu.memory_space<vmem>>, vector<16xi32>,
      %swap3A_198 = vector.shape_cast %swap3A_197 : vector<16xi32> to vector<16xi32>
      %swap3A_199 = vector.shape_cast %shift_right_arithmetic3A_195 : vector<16xi32> to vector<16xi32>
      tpu.vector_store %arg26[%swap3A_196], %swap3A_199 {strides = array<i32>} : memref<32xi32, #tpu.memory_space<vmem>>, vector<16xi32>,
      %and3A_200 = arith.constant 16383 : i32
      %and3A_201 = vector.broadcast %and3A_200 : i32 to vector<16xi32>
      %and3A_202 = arith.andi %get3A_192, %and3A_201 : vector<16xi32>
      %mul3A_203 = arith.constant 2 : i32
      %mul3A_204 = vector.broadcast %mul3A_203 : i32 to vector<16xi32>
      %mul3A_205 = arith.muli %and3A_202, %mul3A_204 : vector<16xi32>
      %add3A_206 = vector.broadcast %add3A : i32 to vector<16xi32>
      %add3A_207 = arith.addi %mul3A_205, %add3A_206 : vector<16xi32>
      %swap3A_208 = arith.constant 16 : index
      %swap3A_209 = tpu.vector_load %arg18[%swap3A_208] {strides = array<i32>} : memref<32xi32, #tpu.memory_space<vmem>>, vector<16xi32>,
      %swap3A_210 = vector.shape_cast %swap3A_209 : vector<16xi32> to vector<16xi32>
      %swap3A_211 = vector.shape_cast %add3A_207 : vector<16xi32> to vector<16xi32>
      tpu.vector_store %arg18[%swap3A_208], %swap3A_211 {strides = array<i32>} : memref<32xi32, #tpu.memory_space<vmem>>, vector<16xi32>,
      %dma_start3A_212 = arith.constant 0 : i32
      %dma_start3A_213 = arith.constant 0 : i32
      %dma_start3A_214 = tpu.memref_slice %arg2[%dma_start3A_212, %dma_start3A_213] : memref<160000x128xf32, #tpu.memory_space<hbm>> -> memref<160000x128xf32, #tpu.memory_space<hbm>>
      tpu.enqueue_indirect_dma source(%dma_start3A_214 : memref<160000x128xf32, #tpu.memory_space<hbm>>) target(%arg10 : memref<32x128xf32, #tpu.memory_space<vmem>>) offsets(%arg18 : memref<32xi32, #tpu.memory_space<vmem>>) semaphore(%arg34 : memref<!tpu.dma_semaphore, #tpu.memory_space<semaphore_mem>>)
      %multiple_of3A_215 = arith.constant 128 : i32
      %multiple_of3A_216 = tpu.assume_multiple %multiple_of3A_215, 16 : i32
      %add3A_217 = arith.constant 0 : i32
      %add3A_218 = arith.addi %multiple_of3A_216, %add3A_217 : i32
      %get3A_219 = arith.index_cast %add3A_218 : i32 to index
      %get3A_220 = tpu.vector_load %arg6[%get3A_219] {strides = array<i32>} : memref<10000xi32, #tpu.memory_space<vmem>>, vector<16xi32>,
      %get3A_221 = vector.shape_cast %get3A_220 : vector<16xi32> to vector<16xi32>
      %shift_right_arithmetic3A_222 = arith.constant 14 : i32
      %shift_right_arithmetic3A_223 = vector.broadcast %shift_right_arithmetic3A_222 : i32 to vector<16xi32>
      %shift_right_arithmetic3A_224 = arith.shrsi %get3A_221, %shift_right_arithmetic3A_223 : vector<16xi32>
      %swap3A_225 = arith.constant 0 : index
      %swap3A_226 = tpu.vector_load %arg27[%swap3A_225] {strides = array<i32>} : memref<32xi32, #tpu.memory_space<vmem>>, vector<16xi32>,
      %swap3A_227 = vector.shape_cast %swap3A_226 : vector<16xi32> to vector<16xi32>
      %swap3A_228 = vector.shape_cast %shift_right_arithmetic3A_224 : vector<16xi32> to vector<16xi32>
      tpu.vector_store %arg27[%swap3A_225], %swap3A_228 {strides = array<i32>} : memref<32xi32, #tpu.memory_space<vmem>>, vector<16xi32>,
      %and3A_229 = arith.constant 16383 : i32
      %and3A_230 = vector.broadcast %and3A_229 : i32 to vector<16xi32>
      %and3A_231 = arith.andi %get3A_221, %and3A_230 : vector<16xi32>
      %mul3A_232 = arith.constant 2 : i32
      %mul3A_233 = vector.broadcast %mul3A_232 : i32 to vector<16xi32>
      %mul3A_234 = arith.muli %and3A_231, %mul3A_233 : vector<16xi32>
      %add3A_235 = vector.broadcast %add3A : i32 to vector<16xi32>
      %add3A_236 = arith.addi %mul3A_234, %add3A_235 : vector<16xi32>
      %swap3A_237 = arith.constant 0 : index
      %swap3A_238 = tpu.vector_load %arg19[%swap3A_237] {strides = array<i32>} : memref<32xi32, #tpu.memory_space<vmem>>, vector<16xi32>,
      %swap3A_239 = vector.shape_cast %swap3A_238 : vector<16xi32> to vector<16xi32>
      %swap3A_240 = vector.shape_cast %add3A_236 : vector<16xi32> to vector<16xi32>
      tpu.vector_store %arg19[%swap3A_237], %swap3A_240 {strides = array<i32>} : memref<32xi32, #tpu.memory_space<vmem>>, vector<16xi32>,
      %add3A_241 = arith.constant 16 : i32
      %add3A_242 = arith.addi %multiple_of3A_216, %add3A_241 : i32
      %get3A_243 = arith.index_cast %add3A_242 : i32 to index
      %get3A_244 = tpu.vector_load %arg6[%get3A_243] {strides = array<i32>} : memref<10000xi32, #tpu.memory_space<vmem>>, vector<16xi32>,
      %get3A_245 = vector.shape_cast %get3A_244 : vector<16xi32> to vector<16xi32>
      %shift_right_arithmetic3A_246 = arith.constant 14 : i32
      %shift_right_arithmetic3A_247 = vector.broadcast %shift_right_arithmetic3A_246 : i32 to vector<16xi32>
      %shift_right_arithmetic3A_248 = arith.shrsi %get3A_245, %shift_right_arithmetic3A_247 : vector<16xi32>
      %swap3A_249 = arith.constant 16 : index
      %swap3A_250 = tpu.vector_load %arg27[%swap3A_249] {strides = array<i32>} : memref<32xi32, #tpu.memory_space<vmem>>, vector<16xi32>,
      %swap3A_251 = vector.shape_cast %swap3A_250 : vector<16xi32> to vector<16xi32>
      %swap3A_252 = vector.shape_cast %shift_right_arithmetic3A_248 : vector<16xi32> to vector<16xi32>
      tpu.vector_store %arg27[%swap3A_249], %swap3A_252 {strides = array<i32>} : memref<32xi32, #tpu.memory_space<vmem>>, vector<16xi32>,
      %and3A_253 = arith.constant 16383 : i32
      %and3A_254 = vector.broadcast %and3A_253 : i32 to vector<16xi32>
      %and3A_255 = arith.andi %get3A_245, %and3A_254 : vector<16xi32>
      %mul3A_256 = arith.constant 2 : i32
      %mul3A_257 = vector.broadcast %mul3A_256 : i32 to vector<16xi32>
      %mul3A_258 = arith.muli %and3A_255, %mul3A_257 : vector<16xi32>
      %add3A_259 = vector.broadcast %add3A : i32 to vector<16xi32>
      %add3A_260 = arith.addi %mul3A_258, %add3A_259 : vector<16xi32>
      %swap3A_261 = arith.constant 16 : index
      %swap3A_262 = tpu.vector_load %arg19[%swap3A_261] {strides = array<i32>} : memref<32xi32, #tpu.memory_space<vmem>>, vector<16xi32>,
      %swap3A_263 = vector.shape_cast %swap3A_262 : vector<16xi32> to vector<16xi32>
      %swap3A_264 = vector.shape_cast %add3A_260 : vector<16xi32> to vector<16xi32>
      tpu.vector_store %arg19[%swap3A_261], %swap3A_264 {strides = array<i32>} : memref<32xi32, #tpu.memory_space<vmem>>, vector<16xi32>,
      %dma_start3A_265 = arith.constant 0 : i32
      %dma_start3A_266 = arith.constant 0 : i32
      %dma_start3A_267 = tpu.memref_slice %arg2[%dma_start3A_265, %dma_start3A_266] : memref<160000x128xf32, #tpu.memory_space<hbm>> -> memref<160000x128xf32, #tpu.memory_space<hbm>>
      tpu.enqueue_indirect_dma source(%dma_start3A_267 : memref<160000x128xf32, #tpu.memory_space<hbm>>) target(%arg11 : memref<32x128xf32, #tpu.memory_space<vmem>>) offsets(%arg19 : memref<32xi32, #tpu.memory_space<vmem>>) semaphore(%arg35 : memref<!tpu.dma_semaphore, #tpu.memory_space<semaphore_mem>>)
      %multiple_of3A_268 = arith.constant 160 : i32
      %multiple_of3A_269 = tpu.assume_multiple %multiple_of3A_268, 16 : i32
      %add3A_270 = arith.constant 0 : i32
      %add3A_271 = arith.addi %multiple_of3A_269, %add3A_270 : i32
      %get3A_272 = arith.index_cast %add3A_271 : i32 to index
      %get3A_273 = tpu.vector_load %arg6[%get3A_272] {strides = array<i32>} : memref<10000xi32, #tpu.memory_space<vmem>>, vector<16xi32>,
      %get3A_274 = vector.shape_cast %get3A_273 : vector<16xi32> to vector<16xi32>
      %shift_right_arithmetic3A_275 = arith.constant 14 : i32
      %shift_right_arithmetic3A_276 = vector.broadcast %shift_right_arithmetic3A_275 : i32 to vector<16xi32>
      %shift_right_arithmetic3A_277 = arith.shrsi %get3A_274, %shift_right_arithmetic3A_276 : vector<16xi32>
      %swap3A_278 = arith.constant 0 : index
      %swap3A_279 = tpu.vector_load %arg28[%swap3A_278] {strides = array<i32>} : memref<32xi32, #tpu.memory_space<vmem>>, vector<16xi32>,
      %swap3A_280 = vector.shape_cast %swap3A_279 : vector<16xi32> to vector<16xi32>
      %swap3A_281 = vector.shape_cast %shift_right_arithmetic3A_277 : vector<16xi32> to vector<16xi32>
      tpu.vector_store %arg28[%swap3A_278], %swap3A_281 {strides = array<i32>} : memref<32xi32, #tpu.memory_space<vmem>>, vector<16xi32>,
      %and3A_282 = arith.constant 16383 : i32
      %and3A_283 = vector.broadcast %and3A_282 : i32 to vector<16xi32>
      %and3A_284 = arith.andi %get3A_274, %and3A_283 : vector<16xi32>
      %mul3A_285 = arith.constant 2 : i32
      %mul3A_286 = vector.broadcast %mul3A_285 : i32 to vector<16xi32>
      %mul3A_287 = arith.muli %and3A_284, %mul3A_286 : vector<16xi32>
      %add3A_288 = vector.broadcast %add3A : i32 to vector<16xi32>
      %add3A_289 = arith.addi %mul3A_287, %add3A_288 : vector<16xi32>
      %swap3A_290 = arith.constant 0 : index
      %swap3A_291 = tpu.vector_load %arg20[%swap3A_290] {strides = array<i32>} : memref<32xi32, #tpu.memory_space<vmem>>, vector<16xi32>,
      %swap3A_292 = vector.shape_cast %swap3A_291 : vector<16xi32> to vector<16xi32>
      %swap3A_293 = vector.shape_cast %add3A_289 : vector<16xi32> to vector<16xi32>
      tpu.vector_store %arg20[%swap3A_290], %swap3A_293 {strides = array<i32>} : memref<32xi32, #tpu.memory_space<vmem>>, vector<16xi32>,
      %add3A_294 = arith.constant 16 : i32
      %add3A_295 = arith.addi %multiple_of3A_269, %add3A_294 : i32
      %get3A_296 = arith.index_cast %add3A_295 : i32 to index
      %get3A_297 = tpu.vector_load %arg6[%get3A_296] {strides = array<i32>} : memref<10000xi32, #tpu.memory_space<vmem>>, vector<16xi32>,
      %get3A_298 = vector.shape_cast %get3A_297 : vector<16xi32> to vector<16xi32>
      %shift_right_arithmetic3A_299 = arith.constant 14 : i32
      %shift_right_arithmetic3A_300 = vector.broadcast %shift_right_arithmetic3A_299 : i32 to vector<16xi32>
      %shift_right_arithmetic3A_301 = arith.shrsi %get3A_298, %shift_right_arithmetic3A_300 : vector<16xi32>
      %swap3A_302 = arith.constant 16 : index
      %swap3A_303 = tpu.vector_load %arg28[%swap3A_302] {strides = array<i32>} : memref<32xi32, #tpu.memory_space<vmem>>, vector<16xi32>,
      %swap3A_304 = vector.shape_cast %swap3A_303 : vector<16xi32> to vector<16xi32>
      %swap3A_305 = vector.shape_cast %shift_right_arithmetic3A_301 : vector<16xi32> to vector<16xi32>
      tpu.vector_store %arg28[%swap3A_302], %swap3A_305 {strides = array<i32>} : memref<32xi32, #tpu.memory_space<vmem>>, vector<16xi32>,
      %and3A_306 = arith.constant 16383 : i32
      %and3A_307 = vector.broadcast %and3A_306 : i32 to vector<16xi32>
      %and3A_308 = arith.andi %get3A_298, %and3A_307 : vector<16xi32>
      %mul3A_309 = arith.constant 2 : i32
      %mul3A_310 = vector.broadcast %mul3A_309 : i32 to vector<16xi32>
      %mul3A_311 = arith.muli %and3A_308, %mul3A_310 : vector<16xi32>
      %add3A_312 = vector.broadcast %add3A : i32 to vector<16xi32>
      %add3A_313 = arith.addi %mul3A_311, %add3A_312 : vector<16xi32>
      %swap3A_314 = arith.constant 16 : index
      %swap3A_315 = tpu.vector_load %arg20[%swap3A_314] {strides = array<i32>} : memref<32xi32, #tpu.memory_space<vmem>>, vector<16xi32>,
      %swap3A_316 = vector.shape_cast %swap3A_315 : vector<16xi32> to vector<16xi32>
      %swap3A_317 = vector.shape_cast %add3A_313 : vector<16xi32> to vector<16xi32>
      tpu.vector_store %arg20[%swap3A_314], %swap3A_317 {strides = array<i32>} : memref<32xi32, #tpu.memory_space<vmem>>, vector<16xi32>,
      %dma_start3A_318 = arith.constant 0 : i32
      %dma_start3A_319 = arith.constant 0 : i32
      %dma_start3A_320 = tpu.memref_slice %arg2[%dma_start3A_318, %dma_start3A_319] : memref<160000x128xf32, #tpu.memory_space<hbm>> -> memref<160000x128xf32, #tpu.memory_space<hbm>>
      tpu.enqueue_indirect_dma source(%dma_start3A_320 : memref<160000x128xf32, #tpu.memory_space<hbm>>) target(%arg12 : memref<32x128xf32, #tpu.memory_space<vmem>>) offsets(%arg20 : memref<32xi32, #tpu.memory_space<vmem>>) semaphore(%arg36 : memref<!tpu.dma_semaphore, #tpu.memory_space<semaphore_mem>>)
      %lt3A = arith.constant 15 : i32
      %lt3A_321 = arith.cmpi slt, %arg1, %lt3A : i32
      %convert_element_type3A = arith.extui %lt3A_321 : i1 to i32
      %cond3A = arith.constant 0 : i32
      %cond3A_322 = arith.cmpi ne, %convert_element_type3A, %cond3A : i32
      scf.if %cond3A_322 {
        %mul3A_377 = arith.constant 640 : i32
        %mul3A_378 = arith.muli %arg1, %mul3A_377 : i32
        %mul3A_379 = arith.constant 128 : i32
        %mul3A_380 = arith.muli %arg0, %mul3A_379 : i32
        %mul3A_381 = arith.constant 640 : i32
        %mul3A_382 = arith.muli %arg1, %mul3A_381 : i32
        "tpu.region"() ({
          %run_scoped3A = tpu.sem_alloc : memref<!tpu.dma_semaphore, #tpu.memory_space<semaphore_mem>>
          %dma_start3A_383 = arith.constant 0 : i32
          %dma_start3A_384 = tpu.memref_slice %arg47[%mul3A_382, %dma_start3A_383] : memref<10000x128xf32, #tpu.memory_space<vmem_shared>> -> memref<640x128xf32, #tpu.memory_space<vmem_shared>>
          %dma_start3A_385 = tpu.memref_slice %arg3[%scan3A_6, %mul3A_378, %mul3A_380] : memref<8x10000x256xf32, #tpu.memory_space<hbm>> -> memref<1x640x128xf32, #tpu.memory_space<hbm>>
          %dma_start3A_386 = tpu.memref_squeeze %dma_start3A_385 : memref<1x640x128xf32, #tpu.memory_space<hbm>> -> memref<640x128xf32, #tpu.memory_space<hbm>>
          tpu.enqueue_dma source(%dma_start3A_386 : memref<640x128xf32, #tpu.memory_space<hbm>>) target(%dma_start3A_384 : memref<640x128xf32, #tpu.memory_space<vmem_shared>>) target_semaphore(%run_scoped3A : memref<!tpu.dma_semaphore, #tpu.memory_space<semaphore_mem>>)
          %dma_wait3A_387 = arith.constant 0 : i32
          %dma_wait3A_388 = tpu.memref_slice %arg47[%mul3A_382, %dma_wait3A_387] : memref<10000x128xf32, #tpu.memory_space<vmem_shared>> -> memref<640x128xf32, #tpu.memory_space<vmem_shared>>
          %dma_wait3A_389 = tpu.memref_slice %arg3[%scan3A_6, %mul3A_378, %mul3A_380] : memref<8x10000x256xf32, #tpu.memory_space<hbm>> -> memref<1x640x128xf32, #tpu.memory_space<hbm>>
          %dma_wait3A_390 = tpu.memref_squeeze %dma_wait3A_389 : memref<1x640x128xf32, #tpu.memory_space<hbm>> -> memref<640x128xf32, #tpu.memory_space<hbm>>
          tpu.wait_dma2 semaphore(%run_scoped3A : memref<!tpu.dma_semaphore, #tpu.memory_space<semaphore_mem>>) src(%dma_wait3A_390 : memref<640x128xf32, #tpu.memory_space<hbm>>) dst(%dma_wait3A_388 : memref<640x128xf32, #tpu.memory_space<vmem_shared>>)
          tpu.yield
        }) : () -> ()
      } else {
      }
      %eq3A = arith.constant 15 : i32
      %eq3A_323 = arith.cmpi eq, %arg1, %eq3A : i32
      %convert_element_type3A_324 = arith.extui %eq3A_323 : i1 to i32
      %cond3A_325 = arith.constant 0 : i32
      %cond3A_326 = arith.cmpi ne, %convert_element_type3A_324, %cond3A_325 : i32
      scf.if %cond3A_326 {
        %mul3A_377 = arith.constant 128 : i32
        %mul3A_378 = arith.muli %arg0, %mul3A_377 : i32
        "tpu.region"() ({
          %run_scoped3A = tpu.sem_alloc : memref<!tpu.dma_semaphore, #tpu.memory_space<semaphore_mem>>
          %dma_start3A_379 = arith.constant 9600 : i32
          %dma_start3A_380 = arith.constant 0 : i32
          %dma_start3A_381 = tpu.memref_slice %arg47[%dma_start3A_379, %dma_start3A_380] : memref<10000x128xf32, #tpu.memory_space<vmem_shared>> -> memref<400x128xf32, #tpu.memory_space<vmem_shared>>
          %dma_start3A_382 = arith.constant 9600 : i32
          %dma_start3A_383 = tpu.memref_slice %arg3[%scan3A_6, %dma_start3A_382, %mul3A_378] : memref<8x10000x256xf32, #tpu.memory_space<hbm>> -> memref<1x400x128xf32, #tpu.memory_space<hbm>>
          %dma_start3A_384 = tpu.memref_squeeze %dma_start3A_383 : memref<1x400x128xf32, #tpu.memory_space<hbm>> -> memref<400x128xf32, #tpu.memory_space<hbm>>
          tpu.enqueue_dma source(%dma_start3A_384 : memref<400x128xf32, #tpu.memory_space<hbm>>) target(%dma_start3A_381 : memref<400x128xf32, #tpu.memory_space<vmem_shared>>) target_semaphore(%run_scoped3A : memref<!tpu.dma_semaphore, #tpu.memory_space<semaphore_mem>>)
          %dma_wait3A_385 = arith.constant 9600 : i32
          %dma_wait3A_386 = arith.constant 0 : i32
          %dma_wait3A_387 = tpu.memref_slice %arg47[%dma_wait3A_385, %dma_wait3A_386] : memref<10000x128xf32, #tpu.memory_space<vmem_shared>> -> memref<400x128xf32, #tpu.memory_space<vmem_shared>>
          %dma_wait3A_388 = arith.constant 9600 : i32
          %dma_wait3A_389 = tpu.memref_slice %arg3[%scan3A_6, %dma_wait3A_388, %mul3A_378] : memref<8x10000x256xf32, #tpu.memory_space<hbm>> -> memref<1x400x128xf32, #tpu.memory_space<hbm>>
          %dma_wait3A_390 = tpu.memref_squeeze %dma_wait3A_389 : memref<1x400x128xf32, #tpu.memory_space<hbm>> -> memref<400x128xf32, #tpu.memory_space<hbm>>
          tpu.wait_dma2 semaphore(%run_scoped3A : memref<!tpu.dma_semaphore, #tpu.memory_space<semaphore_mem>>) src(%dma_wait3A_390 : memref<400x128xf32, #tpu.memory_space<hbm>>) dst(%dma_wait3A_387 : memref<400x128xf32, #tpu.memory_space<vmem_shared>>)
          tpu.yield
        }) : () -> ()
      } else {
      }
      %barrier3A = arith.constant 0 : index
      tpu.barrier barrier_id(%barrier3A)
      %scan3A_327 = arith.constant 0 : i32
      %scan3A_328 = arith.constant 0 : i32
      %scan3A_329 = arith.constant 39 : i32
      %scan3A_330 = arith.addi %scan3A_328, %scan3A_329 : i32
      %scan3A_331 = arith.constant 1 : i32
      scf.for %scan3A_377 = %scan3A_328 to %scan3A_330 step %scan3A_331  : i32 {
        %mul3A_378 = arith.constant 8 : i32
        %mul3A_379 = arith.muli %scan3A_377, %mul3A_378 : i32
        %add3A_380 = arith.constant 0 : i32
        %add3A_381 = arith.addi %mul3A_379, %add3A_380 : i32
        %dma_wait3A_382 = arith.constant 0 : i32
        %dma_wait3A_383 = arith.constant 0 : i32
        %dma_wait3A_384 = tpu.memref_slice %arg2[%dma_wait3A_382, %dma_wait3A_383] : memref<160000x128xf32, #tpu.memory_space<hbm>> -> memref<160000x128xf32, #tpu.memory_space<hbm>>
        tpu.wait_indirect_dma semaphore(%arg31 : memref<!tpu.dma_semaphore, #tpu.memory_space<semaphore_mem>>) src(%dma_wait3A_384 : memref<160000x128xf32, #tpu.memory_space<hbm>>) dst(%arg7 : memref<32x128xf32, #tpu.memory_space<vmem>>)
        %dma_start3A_385 = arith.constant 0 : i32
        %dma_start3A_386 = arith.constant 0 : i32
        %dma_start3A_387 = tpu.memref_slice %arg47[%dma_start3A_385, %dma_start3A_386] : memref<10000x128xf32, #tpu.memory_space<vmem_shared>> -> memref<10000x128xf32, #tpu.memory_space<vmem_shared>>
        tpu.enqueue_indirect_dma source(%arg7 : memref<32x128xf32, #tpu.memory_space<vmem>>) target(%dma_start3A_387 : memref<10000x128xf32, #tpu.memory_space<vmem_shared>>) offsets(%arg23 : memref<32xi32, #tpu.memory_space<vmem>>) semaphore(%arg39 : memref<!tpu.dma_semaphore, #tpu.memory_space<semaphore_mem>>) {add = true}
        %gt3A = arith.constant 0 : i32
        %gt3A_388 = arith.cmpi sgt, %scan3A_377, %gt3A : i32
        %convert_element_type3A_389 = arith.extui %gt3A_388 : i1 to i32
        %cond3A_390 = arith.constant 0 : i32
        %cond3A_391 = arith.cmpi ne, %convert_element_type3A_389, %cond3A_390 : i32
        scf.if %cond3A_391 {
          %dma_wait3A_627 = arith.constant 0 : i32
          %dma_wait3A_628 = arith.constant 0 : i32
          %dma_wait3A_629 = tpu.memref_slice %arg47[%dma_wait3A_627, %dma_wait3A_628] : memref<10000x128xf32, #tpu.memory_space<vmem_shared>> -> memref<10000x128xf32, #tpu.memory_space<vmem_shared>>
          tpu.wait_indirect_dma semaphore(%arg45 : memref<!tpu.dma_semaphore, #tpu.memory_space<semaphore_mem>>) src(%arg13 : memref<32x128xf32, #tpu.memory_space<vmem>>) dst(%dma_wait3A_629 : memref<10000x128xf32, #tpu.memory_space<vmem_shared>>)
        } else {
        }
        %add3A_392 = arith.constant 6 : i32
        %add3A_393 = arith.addi %add3A_381, %add3A_392 : i32
        %mul3A_394 = arith.constant 32 : i32
        %mul3A_395 = arith.muli %add3A_393, %mul3A_394 : i32
        %multiple_of3A_396 = tpu.assume_multiple %mul3A_395, 16 : i32
        %add3A_397 = arith.constant 0 : i32
        %add3A_398 = arith.addi %multiple_of3A_396, %add3A_397 : i32
        %get3A_399 = arith.index_cast %add3A_398 : i32 to index
        %get3A_400 = tpu.vector_load %arg6[%get3A_399] {strides = array<i32>} : memref<10000xi32, #tpu.memory_space<vmem>>, vector<16xi32>,
        %get3A_401 = vector.shape_cast %get3A_400 : vector<16xi32> to vector<16xi32>
        %shift_right_arithmetic3A_402 = arith.constant 14 : i32
        %shift_right_arithmetic3A_403 = vector.broadcast %shift_right_arithmetic3A_402 : i32 to vector<16xi32>
        %shift_right_arithmetic3A_404 = arith.shrsi %get3A_401, %shift_right_arithmetic3A_403 : vector<16xi32>
        %swap3A_405 = arith.constant 0 : index
        %swap3A_406 = tpu.vector_load %arg29[%swap3A_405] {strides = array<i32>} : memref<32xi32, #tpu.memory_space<vmem>>, vector<16xi32>,
        %swap3A_407 = vector.shape_cast %swap3A_406 : vector<16xi32> to vector<16xi32>
        %swap3A_408 = vector.shape_cast %shift_right_arithmetic3A_404 : vector<16xi32> to vector<16xi32>
        tpu.vector_store %arg29[%swap3A_405], %swap3A_408 {strides = array<i32>} : memref<32xi32, #tpu.memory_space<vmem>>, vector<16xi32>,
        %and3A_409 = arith.constant 16383 : i32
        %and3A_410 = vector.broadcast %and3A_409 : i32 to vector<16xi32>
        %and3A_411 = arith.andi %get3A_401, %and3A_410 : vector<16xi32>
        %mul3A_412 = arith.constant 2 : i32
        %mul3A_413 = vector.broadcast %mul3A_412 : i32 to vector<16xi32>
        %mul3A_414 = arith.muli %and3A_411, %mul3A_413 : vector<16xi32>
        %add3A_415 = vector.broadcast %add3A : i32 to vector<16xi32>
        %add3A_416 = arith.addi %mul3A_414, %add3A_415 : vector<16xi32>
        %swap3A_417 = arith.constant 0 : index
        %swap3A_418 = tpu.vector_load %arg21[%swap3A_417] {strides = array<i32>} : memref<32xi32, #tpu.memory_space<vmem>>, vector<16xi32>,
        %swap3A_419 = vector.shape_cast %swap3A_418 : vector<16xi32> to vector<16xi32>
        %swap3A_420 = vector.shape_cast %add3A_416 : vector<16xi32> to vector<16xi32>
        tpu.vector_store %arg21[%swap3A_417], %swap3A_420 {strides = array<i32>} : memref<32xi32, #tpu.memory_space<vmem>>, vector<16xi32>,
        %add3A_421 = arith.constant 16 : i32
        %add3A_422 = arith.addi %multiple_of3A_396, %add3A_421 : i32
        %get3A_423 = arith.index_cast %add3A_422 : i32 to index
        %get3A_424 = tpu.vector_load %arg6[%get3A_423] {strides = array<i32>} : memref<10000xi32, #tpu.memory_space<vmem>>, vector<16xi32>,
        %get3A_425 = vector.shape_cast %get3A_424 : vector<16xi32> to vector<16xi32>
        %shift_right_arithmetic3A_426 = arith.constant 14 : i32
        %shift_right_arithmetic3A_427 = vector.broadcast %shift_right_arithmetic3A_426 : i32 to vector<16xi32>
        %shift_right_arithmetic3A_428 = arith.shrsi %get3A_425, %shift_right_arithmetic3A_427 : vector<16xi32>
        %swap3A_429 = arith.constant 16 : index
        %swap3A_430 = tpu.vector_load %arg29[%swap3A_429] {strides = array<i32>} : memref<32xi32, #tpu.memory_space<vmem>>, vector<16xi32>,
        %swap3A_431 = vector.shape_cast %swap3A_430 : vector<16xi32> to vector<16xi32>
        %swap3A_432 = vector.shape_cast %shift_right_arithmetic3A_428 : vector<16xi32> to vector<16xi32>
        tpu.vector_store %arg29[%swap3A_429], %swap3A_432 {strides = array<i32>} : memref<32xi32, #tpu.memory_space<vmem>>, vector<16xi32>,
        %and3A_433 = arith.constant 16383 : i32
        %and3A_434 = vector.broadcast %and3A_433 : i32 to vector<16xi32>
        %and3A_435 = arith.andi %get3A_425, %and3A_434 : vector<16xi32>
        %mul3A_436 = arith.constant 2 : i32
        %mul3A_437 = vector.broadcast %mul3A_436 : i32 to vector<16xi32>
        %mul3A_438 = arith.muli %and3A_435, %mul3A_437 : vector<16xi32>
        %add3A_439 = vector.broadcast %add3A : i32 to vector<16xi32>
        %add3A_440 = arith.addi %mul3A_438, %add3A_439 : vector<16xi32>
        %swap3A_441 = arith.constant 16 : index
        %swap3A_442 = tpu.vector_load %arg21[%swap3A_441] {strides = array<i32>} : memref<32xi32, #tpu.memory_space<vmem>>, vector<16xi32>,
        %swap3A_443 = vector.shape_cast %swap3A_442 : vector<16xi32> to vector<16xi32>
        %swap3A_444 = vector.shape_cast %add3A_440 : vector<16xi32> to vector<16xi32>
        tpu.vector_store %arg21[%swap3A_441], %swap3A_444 {strides = array<i32>} : memref<32xi32, #tpu.memory_space<vmem>>, vector<16xi32>,
        %dma_start3A_445 = arith.constant 0 : i32
        %dma_start3A_446 = arith.constant 0 : i32
        %dma_start3A_447 = tpu.memref_slice %arg2[%dma_start3A_445, %dma_start3A_446] : memref<160000x128xf32, #tpu.memory_space<hbm>> -> memref<160000x128xf32, #tpu.memory_space<hbm>>
        tpu.enqueue_indirect_dma source(%dma_start3A_447 : memref<160000x128xf32, #tpu.memory_space<hbm>>) target(%arg13 : memref<32x128xf32, #tpu.memory_space<vmem>>) offsets(%arg21 : memref<32xi32, #tpu.memory_space<vmem>>) semaphore(%arg37 : memref<!tpu.dma_semaphore, #tpu.memory_space<semaphore_mem>>)
        %mul3A_448 = arith.constant 8 : i32
        %mul3A_449 = arith.muli %scan3A_377, %mul3A_448 : i32
        %add3A_450 = arith.constant 1 : i32
        %add3A_451 = arith.addi %mul3A_449, %add3A_450 : i32
        %dma_wait3A_452 = arith.constant 0 : i32
        %dma_wait3A_453 = arith.constant 0 : i32
        %dma_wait3A_454 = tpu.memref_slice %arg2[%dma_wait3A_452, %dma_wait3A_453] : memref<160000x128xf32, #tpu.memory_space<hbm>> -> memref<160000x128xf32, #tpu.memory_space<hbm>>
        tpu.wait_indirect_dma semaphore(%arg32 : memref<!tpu.dma_semaphore, #tpu.memory_space<semaphore_mem>>) src(%dma_wait3A_454 : memref<160000x128xf32, #tpu.memory_space<hbm>>) dst(%arg8 : memref<32x128xf32, #tpu.memory_space<vmem>>)
        %dma_start3A_455 = arith.constant 0 : i32
        %dma_start3A_456 = arith.constant 0 : i32
        %dma_start3A_457 = tpu.memref_slice %arg47[%dma_start3A_455, %dma_start3A_456] : memref<10000x128xf32, #tpu.memory_space<vmem_shared>> -> memref<10000x128xf32, #tpu.memory_space<vmem_shared>>
        tpu.enqueue_indirect_dma source(%arg8 : memref<32x128xf32, #tpu.memory_space<vmem>>) target(%dma_start3A_457 : memref<10000x128xf32, #tpu.memory_space<vmem_shared>>) offsets(%arg24 : memref<32xi32, #tpu.memory_space<vmem>>) semaphore(%arg40 : memref<!tpu.dma_semaphore, #tpu.memory_space<semaphore_mem>>) {add = true}
        %gt3A_458 = arith.constant 0 : i32
        %gt3A_459 = arith.cmpi sgt, %scan3A_377, %gt3A_458 : i32
        %convert_element_type3A_460 = arith.extui %gt3A_459 : i1 to i32
        %cond3A_461 = arith.constant 0 : i32
        %cond3A_462 = arith.cmpi ne, %convert_element_type3A_460, %cond3A_461 : i32
        scf.if %cond3A_462 {
          %dma_wait3A_627 = arith.constant 0 : i32
          %dma_wait3A_628 = arith.constant 0 : i32
          %dma_wait3A_629 = tpu.memref_slice %arg47[%dma_wait3A_627, %dma_wait3A_628] : memref<10000x128xf32, #tpu.memory_space<vmem_shared>> -> memref<10000x128xf32, #tpu.memory_space<vmem_shared>>
          tpu.wait_indirect_dma semaphore(%arg46 : memref<!tpu.dma_semaphore, #tpu.memory_space<semaphore_mem>>) src(%arg14 : memref<32x128xf32, #tpu.memory_space<vmem>>) dst(%dma_wait3A_629 : memref<10000x128xf32, #tpu.memory_space<vmem_shared>>)
        } else {
        }
        %add3A_463 = arith.constant 6 : i32
        %add3A_464 = arith.addi %add3A_451, %add3A_463 : i32
        %mul3A_465 = arith.constant 32 : i32
        %mul3A_466 = arith.muli %add3A_464, %mul3A_465 : i32
        %multiple_of3A_467 = tpu.assume_multiple %mul3A_466, 16 : i32
        %add3A_468 = arith.constant 0 : i32
        %add3A_469 = arith.addi %multiple_of3A_467, %add3A_468 : i32
        %get3A_470 = arith.index_cast %add3A_469 : i32 to index
        %get3A_471 = tpu.vector_load %arg6[%get3A_470] {strides = array<i32>} : memref<10000xi32, #tpu.memory_space<vmem>>, vector<16xi32>,
        %get3A_472 = vector.shape_cast %get3A_471 : vector<16xi32> to vector<16xi32>
        %shift_right_arithmetic3A_473 = arith.constant 14 : i32
        %shift_right_arithmetic3A_474 = vector.broadcast %shift_right_arithmetic3A_473 : i32 to vector<16xi32>
        %shift_right_arithmetic3A_475 = arith.shrsi %get3A_472, %shift_right_arithmetic3A_474 : vector<16xi32>
        %swap3A_476 = arith.constant 0 : index
        %swap3A_477 = tpu.vector_load %arg30[%swap3A_476] {strides = array<i32>} : memref<32xi32, #tpu.memory_space<vmem>>, vector<16xi32>,
        %swap3A_478 = vector.shape_cast %swap3A_477 : vector<16xi32> to vector<16xi32>
        %swap3A_479 = vector.shape_cast %shift_right_arithmetic3A_475 : vector<16xi32> to vector<16xi32>
        tpu.vector_store %arg30[%swap3A_476], %swap3A_479 {strides = array<i32>} : memref<32xi32, #tpu.memory_space<vmem>>, vector<16xi32>,
        %and3A_480 = arith.constant 16383 : i32
        %and3A_481 = vector.broadcast %and3A_480 : i32 to vector<16xi32>
        %and3A_482 = arith.andi %get3A_472, %and3A_481 : vector<16xi32>
        %mul3A_483 = arith.constant 2 : i32
        %mul3A_484 = vector.broadcast %mul3A_483 : i32 to vector<16xi32>
        %mul3A_485 = arith.muli %and3A_482, %mul3A_484 : vector<16xi32>
        %add3A_486 = vector.broadcast %add3A : i32 to vector<16xi32>
        %add3A_487 = arith.addi %mul3A_485, %add3A_486 : vector<16xi32>
        %swap3A_488 = arith.constant 0 : index
        %swap3A_489 = tpu.vector_load %arg22[%swap3A_488] {strides = array<i32>} : memref<32xi32, #tpu.memory_space<vmem>>, vector<16xi32>,
        %swap3A_490 = vector.shape_cast %swap3A_489 : vector<16xi32> to vector<16xi32>
        %swap3A_491 = vector.shape_cast %add3A_487 : vector<16xi32> to vector<16xi32>
        tpu.vector_store %arg22[%swap3A_488], %swap3A_491 {strides = array<i32>} : memref<32xi32, #tpu.memory_space<vmem>>, vector<16xi32>,
        %add3A_492 = arith.constant 16 : i32
        %add3A_493 = arith.addi %multiple_of3A_467, %add3A_492 : i32
        %get3A_494 = arith.index_cast %add3A_493 : i32 to index
        %get3A_495 = tpu.vector_load %arg6[%get3A_494] {strides = array<i32>} : memref<10000xi32, #tpu.memory_space<vmem>>, vector<16xi32>,
        %get3A_496 = vector.shape_cast %get3A_495 : vector<16xi32> to vector<16xi32>
        %shift_right_arithmetic3A_497 = arith.constant 14 : i32
        %shift_right_arithmetic3A_498 = vector.broadcast %shift_right_arithmetic3A_497 : i32 to vector<16xi32>
        %shift_right_arithmetic3A_499 = arith.shrsi %get3A_496, %shift_right_arithmetic3A_498 : vector<16xi32>
        %swap3A_500 = arith.constant 16 : index
        %swap3A_501 = tpu.vector_load %arg30[%swap3A_500] {strides = array<i32>} : memref<32xi32, #tpu.memory_space<vmem>>, vector<16xi32>,
        %swap3A_502 = vector.shape_cast %swap3A_501 : vector<16xi32> to vector<16xi32>
        %swap3A_503 = vector.shape_cast %shift_right_arithmetic3A_499 : vector<16xi32> to vector<16xi32>
        tpu.vector_store %arg30[%swap3A_500], %swap3A_503 {strides = array<i32>} : memref<32xi32, #tpu.memory_space<vmem>>, vector<16xi32>,
        %and3A_504 = arith.constant 16383 : i32
        %and3A_505 = vector.broadcast %and3A_504 : i32 to vector<16xi32>
        %and3A_506 = arith.andi %get3A_496, %and3A_505 : vector<16xi32>
        %mul3A_507 = arith.constant 2 : i32
        %mul3A_508 = vector.broadcast %mul3A_507 : i32 to vector<16xi32>
        %mul3A_509 = arith.muli %and3A_506, %mul3A_508 : vector<16xi32>
        %add3A_510 = vector.broadcast %add3A : i32 to vector<16xi32>
        %add3A_511 = arith.addi %mul3A_509, %add3A_510 : vector<16xi32>
        %swap3A_512 = arith.constant 16 : index
        %swap3A_513 = tpu.vector_load %arg22[%swap3A_512] {strides = array<i32>} : memref<32xi32, #tpu.memory_space<vmem>>, vector<16xi32>,
        %swap3A_514 = vector.shape_cast %swap3A_513 : vector<16xi32> to vector<16xi32>
        %swap3A_515 = vector.shape_cast %add3A_511 : vector<16xi32> to vector<16xi32>
        tpu.vector_store %arg22[%swap3A_512], %swap3A_515 {strides = array<i32>} : memref<32xi32, #tpu.memory_space<vmem>>, vector<16xi32>,
        %dma_start3A_516 = arith.constant 0 : i32
        %dma_start3A_517 = arith.constant 0 : i32
        %dma_start3A_518 = tpu.memref_slice %arg2[%dma_start3A_516, %dma_start3A_517] : memref<160000x128xf32, #tpu.memory_space<hbm>> -> memref<160000x128xf32, #tpu.memory_space<hbm>>
        tpu.enqueue_indirect_dma source(%dma_start3A_518 : memref<160000x128xf32, #tpu.memory_space<hbm>>) target(%arg14 : memref<32x128xf32, #tpu.memory_space<vmem>>) offsets(%arg22 : memref<32xi32, #tpu.memory_space<vmem>>) semaphore(%arg38 : memref<!tpu.dma_semaphore, #tpu.memory_space<semaphore_mem>>)
        %mul3A_519 = arith.constant 8 : i32
        %mul3A_520 = arith.muli %scan3A_377, %mul3A_519 : i32
        %add3A_521 = arith.constant 2 : i32
        %add3A_522 = arith.addi %mul3A_520, %add3A_521 : i32
        %dma_wait3A_523 = arith.constant 0 : i32
        %dma_wait3A_524 = arith.constant 0 : i32
        %dma_wait3A_525 = tpu.memref_slice %arg2[%dma_wait3A_523, %dma_wait3A_524] : memref<160000x128xf32, #tpu.memory_space<hbm>> -> memref<160000x128xf32, #tpu.memory_space<hbm>>
        tpu.wait_indirect_dma semaphore(%arg33 : memref<!tpu.dma_semaphore, #tpu.memory_space<semaphore_mem>>) src(%dma_wait3A_525 : memref<160000x128xf32, #tpu.memory_space<hbm>>) dst(%arg9 : memref<32x128xf32, #tpu.memory_space<vmem>>)
        %dma_start3A_526 = arith.constant 0 : i32
        %dma_start3A_527 = arith.constant 0 : i32
        %dma_start3A_528 = tpu.memref_slice %arg47[%dma_start3A_526, %dma_start3A_527] : memref<10000x128xf32, #tpu.memory_space<vmem_shared>> -> memref<10000x128xf32, #tpu.memory_space<vmem_shared>>
        tpu.enqueue_indirect_dma source(%arg9 : memref<32x128xf32, #tpu.memory_space<vmem>>) target(%dma_start3A_528 : memref<10000x128xf32, #tpu.memory_space<vmem_shared>>) offsets(%arg25 : memref<32xi32, #tpu.memory_space<vmem>>) semaphore(%arg41 : memref<!tpu.dma_semaphore, #tpu.memory_space<semaphore_mem>>) {add = true}
        %dma_wait3A_529 = arith.constant 0 : i32
        %dma_wait3A_530 = arith.constant 0 : i32
        %dma_wait3A_531 = tpu.memref_slice %arg47[%dma_wait3A_529, %dma_wait3A_530] : memref<10000x128xf32, #tpu.memory_space<vmem_shared>> -> memref<10000x128xf32, #tpu.memory_space<vmem_shared>>
        tpu.wait_indirect_dma semaphore(%arg39 : memref<!tpu.dma_semaphore, #tpu.memory_space<semaphore_mem>>) src(%arg7 : memref<32x128xf32, #tpu.memory_space<vmem>>) dst(%dma_wait3A_531 : memref<10000x128xf32, #tpu.memory_space<vmem_shared>>)
        %lt3A_532 = arith.constant 38 : i32
        %lt3A_533 = arith.cmpi slt, %scan3A_377, %lt3A_532 : i32
        %convert_element_type3A_534 = arith.extui %lt3A_533 : i1 to i32
        %cond3A_535 = arith.constant 0 : i32
        %cond3A_536 = arith.cmpi ne, %convert_element_type3A_534, %cond3A_535 : i32
        scf.if %cond3A_536 {
          %add3A_627 = arith.constant 6 : i32
          %add3A_628 = arith.addi %add3A_522, %add3A_627 : i32
          %mul3A_629 = arith.constant 32 : i32
          %mul3A_630 = arith.muli %add3A_628, %mul3A_629 : i32
          %multiple_of3A_631 = tpu.assume_multiple %mul3A_630, 16 : i32
          %add3A_632 = arith.constant 0 : i32
          %add3A_633 = arith.addi %multiple_of3A_631, %add3A_632 : i32
          %get3A_634 = arith.index_cast %add3A_633 : i32 to index
          %get3A_635 = tpu.vector_load %arg6[%get3A_634] {strides = array<i32>} : memref<10000xi32, #tpu.memory_space<vmem>>, vector<16xi32>,
          %get3A_636 = vector.shape_cast %get3A_635 : vector<16xi32> to vector<16xi32>
          %shift_right_arithmetic3A_637 = arith.constant 14 : i32
          %shift_right_arithmetic3A_638 = vector.broadcast %shift_right_arithmetic3A_637 : i32 to vector<16xi32>
          %shift_right_arithmetic3A_639 = arith.shrsi %get3A_636, %shift_right_arithmetic3A_638 : vector<16xi32>
          %swap3A_640 = arith.constant 0 : index
          %swap3A_641 = tpu.vector_load %arg23[%swap3A_640] {strides = array<i32>} : memref<32xi32, #tpu.memory_space<vmem>>, vector<16xi32>,
          %swap3A_642 = vector.shape_cast %swap3A_641 : vector<16xi32> to vector<16xi32>
          %swap3A_643 = vector.shape_cast %shift_right_arithmetic3A_639 : vector<16xi32> to vector<16xi32>
          tpu.vector_store %arg23[%swap3A_640], %swap3A_643 {strides = array<i32>} : memref<32xi32, #tpu.memory_space<vmem>>, vector<16xi32>,
          %and3A_644 = arith.constant 16383 : i32
          %and3A_645 = vector.broadcast %and3A_644 : i32 to vector<16xi32>
          %and3A_646 = arith.andi %get3A_636, %and3A_645 : vector<16xi32>
          %mul3A_647 = arith.constant 2 : i32
          %mul3A_648 = vector.broadcast %mul3A_647 : i32 to vector<16xi32>
          %mul3A_649 = arith.muli %and3A_646, %mul3A_648 : vector<16xi32>
          %add3A_650 = vector.broadcast %add3A : i32 to vector<16xi32>
          %add3A_651 = arith.addi %mul3A_649, %add3A_650 : vector<16xi32>
          %swap3A_652 = arith.constant 0 : index
          %swap3A_653 = tpu.vector_load %arg15[%swap3A_652] {strides = array<i32>} : memref<32xi32, #tpu.memory_space<vmem>>, vector<16xi32>,
          %swap3A_654 = vector.shape_cast %swap3A_653 : vector<16xi32> to vector<16xi32>
          %swap3A_655 = vector.shape_cast %add3A_651 : vector<16xi32> to vector<16xi32>
          tpu.vector_store %arg15[%swap3A_652], %swap3A_655 {strides = array<i32>} : memref<32xi32, #tpu.memory_space<vmem>>, vector<16xi32>,
          %add3A_656 = arith.constant 16 : i32
          %add3A_657 = arith.addi %multiple_of3A_631, %add3A_656 : i32
          %get3A_658 = arith.index_cast %add3A_657 : i32 to index
          %get3A_659 = tpu.vector_load %arg6[%get3A_658] {strides = array<i32>} : memref<10000xi32, #tpu.memory_space<vmem>>, vector<16xi32>,
          %get3A_660 = vector.shape_cast %get3A_659 : vector<16xi32> to vector<16xi32>
          %shift_right_arithmetic3A_661 = arith.constant 14 : i32
          %shift_right_arithmetic3A_662 = vector.broadcast %shift_right_arithmetic3A_661 : i32 to vector<16xi32>
          %shift_right_arithmetic3A_663 = arith.shrsi %get3A_660, %shift_right_arithmetic3A_662 : vector<16xi32>
          %swap3A_664 = arith.constant 16 : index
          %swap3A_665 = tpu.vector_load %arg23[%swap3A_664] {strides = array<i32>} : memref<32xi32, #tpu.memory_space<vmem>>, vector<16xi32>,
          %swap3A_666 = vector.shape_cast %swap3A_665 : vector<16xi32> to vector<16xi32>
          %swap3A_667 = vector.shape_cast %shift_right_arithmetic3A_663 : vector<16xi32> to vector<16xi32>
          tpu.vector_store %arg23[%swap3A_664], %swap3A_667 {strides = array<i32>} : memref<32xi32, #tpu.memory_space<vmem>>, vector<16xi32>,
          %and3A_668 = arith.constant 16383 : i32
          %and3A_669 = vector.broadcast %and3A_668 : i32 to vector<16xi32>
          %and3A_670 = arith.andi %get3A_660, %and3A_669 : vector<16xi32>
          %mul3A_671 = arith.constant 2 : i32
          %mul3A_672 = vector.broadcast %mul3A_671 : i32 to vector<16xi32>
          %mul3A_673 = arith.muli %and3A_670, %mul3A_672 : vector<16xi32>
          %add3A_674 = vector.broadcast %add3A : i32 to vector<16xi32>
          %add3A_675 = arith.addi %mul3A_673, %add3A_674 : vector<16xi32>
          %swap3A_676 = arith.constant 16 : index
          %swap3A_677 = tpu.vector_load %arg15[%swap3A_676] {strides = array<i32>} : memref<32xi32, #tpu.memory_space<vmem>>, vector<16xi32>,
          %swap3A_678 = vector.shape_cast %swap3A_677 : vector<16xi32> to vector<16xi32>
          %swap3A_679 = vector.shape_cast %add3A_675 : vector<16xi32> to vector<16xi32>
          tpu.vector_store %arg15[%swap3A_676], %swap3A_679 {strides = array<i32>} : memref<32xi32, #tpu.memory_space<vmem>>, vector<16xi32>,
          %dma_start3A_680 = arith.constant 0 : i32
          %dma_start3A_681 = arith.constant 0 : i32
          %dma_start3A_682 = tpu.memref_slice %arg2[%dma_start3A_680, %dma_start3A_681] : memref<160000x128xf32, #tpu.memory_space<hbm>> -> memref<160000x128xf32, #tpu.memory_space<hbm>>
          tpu.enqueue_indirect_dma source(%dma_start3A_682 : memref<160000x128xf32, #tpu.memory_space<hbm>>) target(%arg7 : memref<32x128xf32, #tpu.memory_space<vmem>>) offsets(%arg15 : memref<32xi32, #tpu.memory_space<vmem>>) semaphore(%arg31 : memref<!tpu.dma_semaphore, #tpu.memory_space<semaphore_mem>>)
        } else {
        }
        %mul3A_537 = arith.constant 8 : i32
        %mul3A_538 = arith.muli %scan3A_377, %mul3A_537 : i32
        %add3A_539 = arith.constant 3 : i32
        %add3A_540 = arith.addi %mul3A_538, %add3A_539 : i32
        %dma_wait3A_541 = arith.constant 0 : i32
        %dma_wait3A_542 = arith.constant 0 : i32
        %dma_wait3A_543 = tpu.memref_slice %arg2[%dma_wait3A_541, %dma_wait3A_542] : memref<160000x128xf32, #tpu.memory_space<hbm>> -> memref<160000x128xf32, #tpu.memory_space<hbm>>
        tpu.wait_indirect_dma semaphore(%arg34 : memref<!tpu.dma_semaphore, #tpu.memory_space<semaphore_mem>>) src(%dma_wait3A_543 : memref<160000x128xf32, #tpu.memory_space<hbm>>) dst(%arg10 : memref<32x128xf32, #tpu.memory_space<vmem>>)
        %dma_start3A_544 = arith.constant 0 : i32
        %dma_start3A_545 = arith.constant 0 : i32
        %dma_start3A_546 = tpu.memref_slice %arg47[%dma_start3A_544, %dma_start3A_545] : memref<10000x128xf32, #tpu.memory_space<vmem_shared>> -> memref<10000x128xf32, #tpu.memory_space<vmem_shared>>
        tpu.enqueue_indirect_dma source(%arg10 : memref<32x128xf32, #tpu.memory_space<vmem>>) target(%dma_start3A_546 : memref<10000x128xf32, #tpu.memory_space<vmem_shared>>) offsets(%arg26 : memref<32xi32, #tpu.memory_space<vmem>>) semaphore(%arg42 : memref<!tpu.dma_semaphore, #tpu.memory_space<semaphore_mem>>) {add = true}
        %dma_wait3A_547 = arith.constant 0 : i32
        %dma_wait3A_548 = arith.constant 0 : i32
        %dma_wait3A_549 = tpu.memref_slice %arg47[%dma_wait3A_547, %dma_wait3A_548] : memref<10000x128xf32, #tpu.memory_space<vmem_shared>> -> memref<10000x128xf32, #tpu.memory_space<vmem_shared>>
        tpu.wait_indirect_dma semaphore(%arg40 : memref<!tpu.dma_semaphore, #tpu.memory_space<semaphore_mem>>) src(%arg8 : memref<32x128xf32, #tpu.memory_space<vmem>>) dst(%dma_wait3A_549 : memref<10000x128xf32, #tpu.memory_space<vmem_shared>>)
        %lt3A_550 = arith.constant 38 : i32
        %lt3A_551 = arith.cmpi slt, %scan3A_377, %lt3A_550 : i32
        %convert_element_type3A_552 = arith.extui %lt3A_551 : i1 to i32
        %cond3A_553 = arith.constant 0 : i32
        %cond3A_554 = arith.cmpi ne, %convert_element_type3A_552, %cond3A_553 : i32
        scf.if %cond3A_554 {
          %add3A_627 = arith.constant 6 : i32
          %add3A_628 = arith.addi %add3A_540, %add3A_627 : i32
          %mul3A_629 = arith.constant 32 : i32
          %mul3A_630 = arith.muli %add3A_628, %mul3A_629 : i32
          %multiple_of3A_631 = tpu.assume_multiple %mul3A_630, 16 : i32
          %add3A_632 = arith.constant 0 : i32
          %add3A_633 = arith.addi %multiple_of3A_631, %add3A_632 : i32
          %get3A_634 = arith.index_cast %add3A_633 : i32 to index
          %get3A_635 = tpu.vector_load %arg6[%get3A_634] {strides = array<i32>} : memref<10000xi32, #tpu.memory_space<vmem>>, vector<16xi32>,
          %get3A_636 = vector.shape_cast %get3A_635 : vector<16xi32> to vector<16xi32>
          %shift_right_arithmetic3A_637 = arith.constant 14 : i32
          %shift_right_arithmetic3A_638 = vector.broadcast %shift_right_arithmetic3A_637 : i32 to vector<16xi32>
          %shift_right_arithmetic3A_639 = arith.shrsi %get3A_636, %shift_right_arithmetic3A_638 : vector<16xi32>
          %swap3A_640 = arith.constant 0 : index
          %swap3A_641 = tpu.vector_load %arg24[%swap3A_640] {strides = array<i32>} : memref<32xi32, #tpu.memory_space<vmem>>, vector<16xi32>,
          %swap3A_642 = vector.shape_cast %swap3A_641 : vector<16xi32> to vector<16xi32>
          %swap3A_643 = vector.shape_cast %shift_right_arithmetic3A_639 : vector<16xi32> to vector<16xi32>
          tpu.vector_store %arg24[%swap3A_640], %swap3A_643 {strides = array<i32>} : memref<32xi32, #tpu.memory_space<vmem>>, vector<16xi32>,
          %and3A_644 = arith.constant 16383 : i32
          %and3A_645 = vector.broadcast %and3A_644 : i32 to vector<16xi32>
          %and3A_646 = arith.andi %get3A_636, %and3A_645 : vector<16xi32>
          %mul3A_647 = arith.constant 2 : i32
          %mul3A_648 = vector.broadcast %mul3A_647 : i32 to vector<16xi32>
          %mul3A_649 = arith.muli %and3A_646, %mul3A_648 : vector<16xi32>
          %add3A_650 = vector.broadcast %add3A : i32 to vector<16xi32>
          %add3A_651 = arith.addi %mul3A_649, %add3A_650 : vector<16xi32>
          %swap3A_652 = arith.constant 0 : index
          %swap3A_653 = tpu.vector_load %arg16[%swap3A_652] {strides = array<i32>} : memref<32xi32, #tpu.memory_space<vmem>>, vector<16xi32>,
          %swap3A_654 = vector.shape_cast %swap3A_653 : vector<16xi32> to vector<16xi32>
          %swap3A_655 = vector.shape_cast %add3A_651 : vector<16xi32> to vector<16xi32>
          tpu.vector_store %arg16[%swap3A_652], %swap3A_655 {strides = array<i32>} : memref<32xi32, #tpu.memory_space<vmem>>, vector<16xi32>,
          %add3A_656 = arith.constant 16 : i32
          %add3A_657 = arith.addi %multiple_of3A_631, %add3A_656 : i32
          %get3A_658 = arith.index_cast %add3A_657 : i32 to index
          %get3A_659 = tpu.vector_load %arg6[%get3A_658] {strides = array<i32>} : memref<10000xi32, #tpu.memory_space<vmem>>, vector<16xi32>,
          %get3A_660 = vector.shape_cast %get3A_659 : vector<16xi32> to vector<16xi32>
          %shift_right_arithmetic3A_661 = arith.constant 14 : i32
          %shift_right_arithmetic3A_662 = vector.broadcast %shift_right_arithmetic3A_661 : i32 to vector<16xi32>
          %shift_right_arithmetic3A_663 = arith.shrsi %get3A_660, %shift_right_arithmetic3A_662 : vector<16xi32>
          %swap3A_664 = arith.constant 16 : index
          %swap3A_665 = tpu.vector_load %arg24[%swap3A_664] {strides = array<i32>} : memref<32xi32, #tpu.memory_space<vmem>>, vector<16xi32>,
          %swap3A_666 = vector.shape_cast %swap3A_665 : vector<16xi32> to vector<16xi32>
          %swap3A_667 = vector.shape_cast %shift_right_arithmetic3A_663 : vector<16xi32> to vector<16xi32>
          tpu.vector_store %arg24[%swap3A_664], %swap3A_667 {strides = array<i32>} : memref<32xi32, #tpu.memory_space<vmem>>, vector<16xi32>,
          %and3A_668 = arith.constant 16383 : i32
          %and3A_669 = vector.broadcast %and3A_668 : i32 to vector<16xi32>
          %and3A_670 = arith.andi %get3A_660, %and3A_669 : vector<16xi32>
          %mul3A_671 = arith.constant 2 : i32
          %mul3A_672 = vector.broadcast %mul3A_671 : i32 to vector<16xi32>
          %mul3A_673 = arith.muli %and3A_670, %mul3A_672 : vector<16xi32>
          %add3A_674 = vector.broadcast %add3A : i32 to vector<16xi32>
          %add3A_675 = arith.addi %mul3A_673, %add3A_674 : vector<16xi32>
          %swap3A_676 = arith.constant 16 : index
          %swap3A_677 = tpu.vector_load %arg16[%swap3A_676] {strides = array<i32>} : memref<32xi32, #tpu.memory_space<vmem>>, vector<16xi32>,
          %swap3A_678 = vector.shape_cast %swap3A_677 : vector<16xi32> to vector<16xi32>
          %swap3A_679 = vector.shape_cast %add3A_675 : vector<16xi32> to vector<16xi32>
          tpu.vector_store %arg16[%swap3A_676], %swap3A_679 {strides = array<i32>} : memref<32xi32, #tpu.memory_space<vmem>>, vector<16xi32>,
          %dma_start3A_680 = arith.constant 0 : i32
          %dma_start3A_681 = arith.constant 0 : i32
          %dma_start3A_682 = tpu.memref_slice %arg2[%dma_start3A_680, %dma_start3A_681] : memref<160000x128xf32, #tpu.memory_space<hbm>> -> memref<160000x128xf32, #tpu.memory_space<hbm>>
          tpu.enqueue_indirect_dma source(%dma_start3A_682 : memref<160000x128xf32, #tpu.memory_space<hbm>>) target(%arg8 : memref<32x128xf32, #tpu.memory_space<vmem>>) offsets(%arg16 : memref<32xi32, #tpu.memory_space<vmem>>) semaphore(%arg32 : memref<!tpu.dma_semaphore, #tpu.memory_space<semaphore_mem>>)
        } else {
        }
        %mul3A_555 = arith.constant 8 : i32
        %mul3A_556 = arith.muli %scan3A_377, %mul3A_555 : i32
        %add3A_557 = arith.constant 4 : i32
        %add3A_558 = arith.addi %mul3A_556, %add3A_557 : i32
        %dma_wait3A_559 = arith.constant 0 : i32
        %dma_wait3A_560 = arith.constant 0 : i32
        %dma_wait3A_561 = tpu.memref_slice %arg2[%dma_wait3A_559, %dma_wait3A_560] : memref<160000x128xf32, #tpu.memory_space<hbm>> -> memref<160000x128xf32, #tpu.memory_space<hbm>>
        tpu.wait_indirect_dma semaphore(%arg35 : memref<!tpu.dma_semaphore, #tpu.memory_space<semaphore_mem>>) src(%dma_wait3A_561 : memref<160000x128xf32, #tpu.memory_space<hbm>>) dst(%arg11 : memref<32x128xf32, #tpu.memory_space<vmem>>)
        %dma_start3A_562 = arith.constant 0 : i32
        %dma_start3A_563 = arith.constant 0 : i32
        %dma_start3A_564 = tpu.memref_slice %arg47[%dma_start3A_562, %dma_start3A_563] : memref<10000x128xf32, #tpu.memory_space<vmem_shared>> -> memref<10000x128xf32, #tpu.memory_space<vmem_shared>>
        tpu.enqueue_indirect_dma source(%arg11 : memref<32x128xf32, #tpu.memory_space<vmem>>) target(%dma_start3A_564 : memref<10000x128xf32, #tpu.memory_space<vmem_shared>>) offsets(%arg27 : memref<32xi32, #tpu.memory_space<vmem>>) semaphore(%arg43 : memref<!tpu.dma_semaphore, #tpu.memory_space<semaphore_mem>>) {add = true}
        %dma_wait3A_565 = arith.constant 0 : i32
        %dma_wait3A_566 = arith.constant 0 : i32
        %dma_wait3A_567 = tpu.memref_slice %arg47[%dma_wait3A_565, %dma_wait3A_566] : memref<10000x128xf32, #tpu.memory_space<vmem_shared>> -> memref<10000x128xf32, #tpu.memory_space<vmem_shared>>
        tpu.wait_indirect_dma semaphore(%arg41 : memref<!tpu.dma_semaphore, #tpu.memory_space<semaphore_mem>>) src(%arg9 : memref<32x128xf32, #tpu.memory_space<vmem>>) dst(%dma_wait3A_567 : memref<10000x128xf32, #tpu.memory_space<vmem_shared>>)
        %lt3A_568 = arith.constant 38 : i32
        %lt3A_569 = arith.cmpi slt, %scan3A_377, %lt3A_568 : i32
        %convert_element_type3A_570 = arith.extui %lt3A_569 : i1 to i32
        %cond3A_571 = arith.constant 0 : i32
        %cond3A_572 = arith.cmpi ne, %convert_element_type3A_570, %cond3A_571 : i32
        scf.if %cond3A_572 {
          %add3A_627 = arith.constant 6 : i32
          %add3A_628 = arith.addi %add3A_558, %add3A_627 : i32
          %mul3A_629 = arith.constant 32 : i32
          %mul3A_630 = arith.muli %add3A_628, %mul3A_629 : i32
          %multiple_of3A_631 = tpu.assume_multiple %mul3A_630, 16 : i32
          %add3A_632 = arith.constant 0 : i32
          %add3A_633 = arith.addi %multiple_of3A_631, %add3A_632 : i32
          %get3A_634 = arith.index_cast %add3A_633 : i32 to index
          %get3A_635 = tpu.vector_load %arg6[%get3A_634] {strides = array<i32>} : memref<10000xi32, #tpu.memory_space<vmem>>, vector<16xi32>,
          %get3A_636 = vector.shape_cast %get3A_635 : vector<16xi32> to vector<16xi32>
          %shift_right_arithmetic3A_637 = arith.constant 14 : i32
          %shift_right_arithmetic3A_638 = vector.broadcast %shift_right_arithmetic3A_637 : i32 to vector<16xi32>
          %shift_right_arithmetic3A_639 = arith.shrsi %get3A_636, %shift_right_arithmetic3A_638 : vector<16xi32>
          %swap3A_640 = arith.constant 0 : index
          %swap3A_641 = tpu.vector_load %arg25[%swap3A_640] {strides = array<i32>} : memref<32xi32, #tpu.memory_space<vmem>>, vector<16xi32>,
          %swap3A_642 = vector.shape_cast %swap3A_641 : vector<16xi32> to vector<16xi32>
          %swap3A_643 = vector.shape_cast %shift_right_arithmetic3A_639 : vector<16xi32> to vector<16xi32>
          tpu.vector_store %arg25[%swap3A_640], %swap3A_643 {strides = array<i32>} : memref<32xi32, #tpu.memory_space<vmem>>, vector<16xi32>,
          %and3A_644 = arith.constant 16383 : i32
          %and3A_645 = vector.broadcast %and3A_644 : i32 to vector<16xi32>
          %and3A_646 = arith.andi %get3A_636, %and3A_645 : vector<16xi32>
          %mul3A_647 = arith.constant 2 : i32
          %mul3A_648 = vector.broadcast %mul3A_647 : i32 to vector<16xi32>
          %mul3A_649 = arith.muli %and3A_646, %mul3A_648 : vector<16xi32>
          %add3A_650 = vector.broadcast %add3A : i32 to vector<16xi32>
          %add3A_651 = arith.addi %mul3A_649, %add3A_650 : vector<16xi32>
          %swap3A_652 = arith.constant 0 : index
          %swap3A_653 = tpu.vector_load %arg17[%swap3A_652] {strides = array<i32>} : memref<32xi32, #tpu.memory_space<vmem>>, vector<16xi32>,
          %swap3A_654 = vector.shape_cast %swap3A_653 : vector<16xi32> to vector<16xi32>
          %swap3A_655 = vector.shape_cast %add3A_651 : vector<16xi32> to vector<16xi32>
          tpu.vector_store %arg17[%swap3A_652], %swap3A_655 {strides = array<i32>} : memref<32xi32, #tpu.memory_space<vmem>>, vector<16xi32>,
          %add3A_656 = arith.constant 16 : i32
          %add3A_657 = arith.addi %multiple_of3A_631, %add3A_656 : i32
          %get3A_658 = arith.index_cast %add3A_657 : i32 to index
          %get3A_659 = tpu.vector_load %arg6[%get3A_658] {strides = array<i32>} : memref<10000xi32, #tpu.memory_space<vmem>>, vector<16xi32>,
          %get3A_660 = vector.shape_cast %get3A_659 : vector<16xi32> to vector<16xi32>
          %shift_right_arithmetic3A_661 = arith.constant 14 : i32
          %shift_right_arithmetic3A_662 = vector.broadcast %shift_right_arithmetic3A_661 : i32 to vector<16xi32>
          %shift_right_arithmetic3A_663 = arith.shrsi %get3A_660, %shift_right_arithmetic3A_662 : vector<16xi32>
          %swap3A_664 = arith.constant 16 : index
          %swap3A_665 = tpu.vector_load %arg25[%swap3A_664] {strides = array<i32>} : memref<32xi32, #tpu.memory_space<vmem>>, vector<16xi32>,
          %swap3A_666 = vector.shape_cast %swap3A_665 : vector<16xi32> to vector<16xi32>
          %swap3A_667 = vector.shape_cast %shift_right_arithmetic3A_663 : vector<16xi32> to vector<16xi32>
          tpu.vector_store %arg25[%swap3A_664], %swap3A_667 {strides = array<i32>} : memref<32xi32, #tpu.memory_space<vmem>>, vector<16xi32>,
          %and3A_668 = arith.constant 16383 : i32
          %and3A_669 = vector.broadcast %and3A_668 : i32 to vector<16xi32>
          %and3A_670 = arith.andi %get3A_660, %and3A_669 : vector<16xi32>
          %mul3A_671 = arith.constant 2 : i32
          %mul3A_672 = vector.broadcast %mul3A_671 : i32 to vector<16xi32>
          %mul3A_673 = arith.muli %and3A_670, %mul3A_672 : vector<16xi32>
          %add3A_674 = vector.broadcast %add3A : i32 to vector<16xi32>
          %add3A_675 = arith.addi %mul3A_673, %add3A_674 : vector<16xi32>
          %swap3A_676 = arith.constant 16 : index
          %swap3A_677 = tpu.vector_load %arg17[%swap3A_676] {strides = array<i32>} : memref<32xi32, #tpu.memory_space<vmem>>, vector<16xi32>,
          %swap3A_678 = vector.shape_cast %swap3A_677 : vector<16xi32> to vector<16xi32>
          %swap3A_679 = vector.shape_cast %add3A_675 : vector<16xi32> to vector<16xi32>
          tpu.vector_store %arg17[%swap3A_676], %swap3A_679 {strides = array<i32>} : memref<32xi32, #tpu.memory_space<vmem>>, vector<16xi32>,
          %dma_start3A_680 = arith.constant 0 : i32
          %dma_start3A_681 = arith.constant 0 : i32
          %dma_start3A_682 = tpu.memref_slice %arg2[%dma_start3A_680, %dma_start3A_681] : memref<160000x128xf32, #tpu.memory_space<hbm>> -> memref<160000x128xf32, #tpu.memory_space<hbm>>
          tpu.enqueue_indirect_dma source(%dma_start3A_682 : memref<160000x128xf32, #tpu.memory_space<hbm>>) target(%arg9 : memref<32x128xf32, #tpu.memory_space<vmem>>) offsets(%arg17 : memref<32xi32, #tpu.memory_space<vmem>>) semaphore(%arg33 : memref<!tpu.dma_semaphore, #tpu.memory_space<semaphore_mem>>)
        } else {
        }
        %mul3A_573 = arith.constant 8 : i32
        %mul3A_574 = arith.muli %scan3A_377, %mul3A_573 : i32
        %add3A_575 = arith.constant 5 : i32
        %add3A_576 = arith.addi %mul3A_574, %add3A_575 : i32
        %dma_wait3A_577 = arith.constant 0 : i32
        %dma_wait3A_578 = arith.constant 0 : i32
        %dma_wait3A_579 = tpu.memref_slice %arg2[%dma_wait3A_577, %dma_wait3A_578] : memref<160000x128xf32, #tpu.memory_space<hbm>> -> memref<160000x128xf32, #tpu.memory_space<hbm>>
        tpu.wait_indirect_dma semaphore(%arg36 : memref<!tpu.dma_semaphore, #tpu.memory_space<semaphore_mem>>) src(%dma_wait3A_579 : memref<160000x128xf32, #tpu.memory_space<hbm>>) dst(%arg12 : memref<32x128xf32, #tpu.memory_space<vmem>>)
        %dma_start3A_580 = arith.constant 0 : i32
        %dma_start3A_581 = arith.constant 0 : i32
        %dma_start3A_582 = tpu.memref_slice %arg47[%dma_start3A_580, %dma_start3A_581] : memref<10000x128xf32, #tpu.memory_space<vmem_shared>> -> memref<10000x128xf32, #tpu.memory_space<vmem_shared>>
        tpu.enqueue_indirect_dma source(%arg12 : memref<32x128xf32, #tpu.memory_space<vmem>>) target(%dma_start3A_582 : memref<10000x128xf32, #tpu.memory_space<vmem_shared>>) offsets(%arg28 : memref<32xi32, #tpu.memory_space<vmem>>) semaphore(%arg44 : memref<!tpu.dma_semaphore, #tpu.memory_space<semaphore_mem>>) {add = true}
        %dma_wait3A_583 = arith.constant 0 : i32
        %dma_wait3A_584 = arith.constant 0 : i32
        %dma_wait3A_585 = tpu.memref_slice %arg47[%dma_wait3A_583, %dma_wait3A_584] : memref<10000x128xf32, #tpu.memory_space<vmem_shared>> -> memref<10000x128xf32, #tpu.memory_space<vmem_shared>>
        tpu.wait_indirect_dma semaphore(%arg42 : memref<!tpu.dma_semaphore, #tpu.memory_space<semaphore_mem>>) src(%arg10 : memref<32x128xf32, #tpu.memory_space<vmem>>) dst(%dma_wait3A_585 : memref<10000x128xf32, #tpu.memory_space<vmem_shared>>)
        %lt3A_586 = arith.constant 38 : i32
        %lt3A_587 = arith.cmpi slt, %scan3A_377, %lt3A_586 : i32
        %convert_element_type3A_588 = arith.extui %lt3A_587 : i1 to i32
        %cond3A_589 = arith.constant 0 : i32
        %cond3A_590 = arith.cmpi ne, %convert_element_type3A_588, %cond3A_589 : i32
        scf.if %cond3A_590 {
          %add3A_627 = arith.constant 6 : i32
          %add3A_628 = arith.addi %add3A_576, %add3A_627 : i32
          %mul3A_629 = arith.constant 32 : i32
          %mul3A_630 = arith.muli %add3A_628, %mul3A_629 : i32
          %multiple_of3A_631 = tpu.assume_multiple %mul3A_630, 16 : i32
          %add3A_632 = arith.constant 0 : i32
          %add3A_633 = arith.addi %multiple_of3A_631, %add3A_632 : i32
          %get3A_634 = arith.index_cast %add3A_633 : i32 to index
          %get3A_635 = tpu.vector_load %arg6[%get3A_634] {strides = array<i32>} : memref<10000xi32, #tpu.memory_space<vmem>>, vector<16xi32>,
          %get3A_636 = vector.shape_cast %get3A_635 : vector<16xi32> to vector<16xi32>
          %shift_right_arithmetic3A_637 = arith.constant 14 : i32
          %shift_right_arithmetic3A_638 = vector.broadcast %shift_right_arithmetic3A_637 : i32 to vector<16xi32>
          %shift_right_arithmetic3A_639 = arith.shrsi %get3A_636, %shift_right_arithmetic3A_638 : vector<16xi32>
          %swap3A_640 = arith.constant 0 : index
          %swap3A_641 = tpu.vector_load %arg26[%swap3A_640] {strides = array<i32>} : memref<32xi32, #tpu.memory_space<vmem>>, vector<16xi32>,
          %swap3A_642 = vector.shape_cast %swap3A_641 : vector<16xi32> to vector<16xi32>
          %swap3A_643 = vector.shape_cast %shift_right_arithmetic3A_639 : vector<16xi32> to vector<16xi32>
          tpu.vector_store %arg26[%swap3A_640], %swap3A_643 {strides = array<i32>} : memref<32xi32, #tpu.memory_space<vmem>>, vector<16xi32>,
          %and3A_644 = arith.constant 16383 : i32
          %and3A_645 = vector.broadcast %and3A_644 : i32 to vector<16xi32>
          %and3A_646 = arith.andi %get3A_636, %and3A_645 : vector<16xi32>
          %mul3A_647 = arith.constant 2 : i32
          %mul3A_648 = vector.broadcast %mul3A_647 : i32 to vector<16xi32>
          %mul3A_649 = arith.muli %and3A_646, %mul3A_648 : vector<16xi32>
          %add3A_650 = vector.broadcast %add3A : i32 to vector<16xi32>
          %add3A_651 = arith.addi %mul3A_649, %add3A_650 : vector<16xi32>
          %swap3A_652 = arith.constant 0 : index
          %swap3A_653 = tpu.vector_load %arg18[%swap3A_652] {strides = array<i32>} : memref<32xi32, #tpu.memory_space<vmem>>, vector<16xi32>,
          %swap3A_654 = vector.shape_cast %swap3A_653 : vector<16xi32> to vector<16xi32>
          %swap3A_655 = vector.shape_cast %add3A_651 : vector<16xi32> to vector<16xi32>
          tpu.vector_store %arg18[%swap3A_652], %swap3A_655 {strides = array<i32>} : memref<32xi32, #tpu.memory_space<vmem>>, vector<16xi32>,
          %add3A_656 = arith.constant 16 : i32
          %add3A_657 = arith.addi %multiple_of3A_631, %add3A_656 : i32
          %get3A_658 = arith.index_cast %add3A_657 : i32 to index
          %get3A_659 = tpu.vector_load %arg6[%get3A_658] {strides = array<i32>} : memref<10000xi32, #tpu.memory_space<vmem>>, vector<16xi32>,
          %get3A_660 = vector.shape_cast %get3A_659 : vector<16xi32> to vector<16xi32>
          %shift_right_arithmetic3A_661 = arith.constant 14 : i32
          %shift_right_arithmetic3A_662 = vector.broadcast %shift_right_arithmetic3A_661 : i32 to vector<16xi32>
          %shift_right_arithmetic3A_663 = arith.shrsi %get3A_660, %shift_right_arithmetic3A_662 : vector<16xi32>
          %swap3A_664 = arith.constant 16 : index
          %swap3A_665 = tpu.vector_load %arg26[%swap3A_664] {strides = array<i32>} : memref<32xi32, #tpu.memory_space<vmem>>, vector<16xi32>,
          %swap3A_666 = vector.shape_cast %swap3A_665 : vector<16xi32> to vector<16xi32>
          %swap3A_667 = vector.shape_cast %shift_right_arithmetic3A_663 : vector<16xi32> to vector<16xi32>
          tpu.vector_store %arg26[%swap3A_664], %swap3A_667 {strides = array<i32>} : memref<32xi32, #tpu.memory_space<vmem>>, vector<16xi32>,
          %and3A_668 = arith.constant 16383 : i32
          %and3A_669 = vector.broadcast %and3A_668 : i32 to vector<16xi32>
          %and3A_670 = arith.andi %get3A_660, %and3A_669 : vector<16xi32>
          %mul3A_671 = arith.constant 2 : i32
          %mul3A_672 = vector.broadcast %mul3A_671 : i32 to vector<16xi32>
          %mul3A_673 = arith.muli %and3A_670, %mul3A_672 : vector<16xi32>
          %add3A_674 = vector.broadcast %add3A : i32 to vector<16xi32>
          %add3A_675 = arith.addi %mul3A_673, %add3A_674 : vector<16xi32>
          %swap3A_676 = arith.constant 16 : index
          %swap3A_677 = tpu.vector_load %arg18[%swap3A_676] {strides = array<i32>} : memref<32xi32, #tpu.memory_space<vmem>>, vector<16xi32>,
          %swap3A_678 = vector.shape_cast %swap3A_677 : vector<16xi32> to vector<16xi32>
          %swap3A_679 = vector.shape_cast %add3A_675 : vector<16xi32> to vector<16xi32>
          tpu.vector_store %arg18[%swap3A_676], %swap3A_679 {strides = array<i32>} : memref<32xi32, #tpu.memory_space<vmem>>, vector<16xi32>,
          %dma_start3A_680 = arith.constant 0 : i32
          %dma_start3A_681 = arith.constant 0 : i32
          %dma_start3A_682 = tpu.memref_slice %arg2[%dma_start3A_680, %dma_start3A_681] : memref<160000x128xf32, #tpu.memory_space<hbm>> -> memref<160000x128xf32, #tpu.memory_space<hbm>>
          tpu.enqueue_indirect_dma source(%dma_start3A_682 : memref<160000x128xf32, #tpu.memory_space<hbm>>) target(%arg10 : memref<32x128xf32, #tpu.memory_space<vmem>>) offsets(%arg18 : memref<32xi32, #tpu.memory_space<vmem>>) semaphore(%arg34 : memref<!tpu.dma_semaphore, #tpu.memory_space<semaphore_mem>>)
        } else {
        }
        %mul3A_591 = arith.constant 8 : i32
        %mul3A_592 = arith.muli %scan3A_377, %mul3A_591 : i32
        %add3A_593 = arith.constant 6 : i32
        %add3A_594 = arith.addi %mul3A_592, %add3A_593 : i32
        %dma_wait3A_595 = arith.constant 0 : i32
        %dma_wait3A_596 = arith.constant 0 : i32
        %dma_wait3A_597 = tpu.memref_slice %arg2[%dma_wait3A_595, %dma_wait3A_596] : memref<160000x128xf32, #tpu.memory_space<hbm>> -> memref<160000x128xf32, #tpu.memory_space<hbm>>
        tpu.wait_indirect_dma semaphore(%arg37 : memref<!tpu.dma_semaphore, #tpu.memory_space<semaphore_mem>>) src(%dma_wait3A_597 : memref<160000x128xf32, #tpu.memory_space<hbm>>) dst(%arg13 : memref<32x128xf32, #tpu.memory_space<vmem>>)
        %dma_start3A_598 = arith.constant 0 : i32
        %dma_start3A_599 = arith.constant 0 : i32
        %dma_start3A_600 = tpu.memref_slice %arg47[%dma_start3A_598, %dma_start3A_599] : memref<10000x128xf32, #tpu.memory_space<vmem_shared>> -> memref<10000x128xf32, #tpu.memory_space<vmem_shared>>
        tpu.enqueue_indirect_dma source(%arg13 : memref<32x128xf32, #tpu.memory_space<vmem>>) target(%dma_start3A_600 : memref<10000x128xf32, #tpu.memory_space<vmem_shared>>) offsets(%arg29 : memref<32xi32, #tpu.memory_space<vmem>>) semaphore(%arg45 : memref<!tpu.dma_semaphore, #tpu.memory_space<semaphore_mem>>) {add = true}
        %dma_wait3A_601 = arith.constant 0 : i32
        %dma_wait3A_602 = arith.constant 0 : i32
        %dma_wait3A_603 = tpu.memref_slice %arg47[%dma_wait3A_601, %dma_wait3A_602] : memref<10000x128xf32, #tpu.memory_space<vmem_shared>> -> memref<10000x128xf32, #tpu.memory_space<vmem_shared>>
        tpu.wait_indirect_dma semaphore(%arg43 : memref<!tpu.dma_semaphore, #tpu.memory_space<semaphore_mem>>) src(%arg11 : memref<32x128xf32, #tpu.memory_space<vmem>>) dst(%dma_wait3A_603 : memref<10000x128xf32, #tpu.memory_space<vmem_shared>>)
        %lt3A_604 = arith.constant 38 : i32
        %lt3A_605 = arith.cmpi slt, %scan3A_377, %lt3A_604 : i32
        %convert_element_type3A_606 = arith.extui %lt3A_605 : i1 to i32
        %cond3A_607 = arith.constant 0 : i32
        %cond3A_608 = arith.cmpi ne, %convert_element_type3A_606, %cond3A_607 : i32
        scf.if %cond3A_608 {
          %add3A_627 = arith.constant 6 : i32
          %add3A_628 = arith.addi %add3A_594, %add3A_627 : i32
          %mul3A_629 = arith.constant 32 : i32
          %mul3A_630 = arith.muli %add3A_628, %mul3A_629 : i32
          %multiple_of3A_631 = tpu.assume_multiple %mul3A_630, 16 : i32
          %add3A_632 = arith.constant 0 : i32
          %add3A_633 = arith.addi %multiple_of3A_631, %add3A_632 : i32
          %get3A_634 = arith.index_cast %add3A_633 : i32 to index
          %get3A_635 = tpu.vector_load %arg6[%get3A_634] {strides = array<i32>} : memref<10000xi32, #tpu.memory_space<vmem>>, vector<16xi32>,
          %get3A_636 = vector.shape_cast %get3A_635 : vector<16xi32> to vector<16xi32>
          %shift_right_arithmetic3A_637 = arith.constant 14 : i32
          %shift_right_arithmetic3A_638 = vector.broadcast %shift_right_arithmetic3A_637 : i32 to vector<16xi32>
          %shift_right_arithmetic3A_639 = arith.shrsi %get3A_636, %shift_right_arithmetic3A_638 : vector<16xi32>
          %swap3A_640 = arith.constant 0 : index
          %swap3A_641 = tpu.vector_load %arg27[%swap3A_640] {strides = array<i32>} : memref<32xi32, #tpu.memory_space<vmem>>, vector<16xi32>,
          %swap3A_642 = vector.shape_cast %swap3A_641 : vector<16xi32> to vector<16xi32>
          %swap3A_643 = vector.shape_cast %shift_right_arithmetic3A_639 : vector<16xi32> to vector<16xi32>
          tpu.vector_store %arg27[%swap3A_640], %swap3A_643 {strides = array<i32>} : memref<32xi32, #tpu.memory_space<vmem>>, vector<16xi32>,
          %and3A_644 = arith.constant 16383 : i32
          %and3A_645 = vector.broadcast %and3A_644 : i32 to vector<16xi32>
          %and3A_646 = arith.andi %get3A_636, %and3A_645 : vector<16xi32>
          %mul3A_647 = arith.constant 2 : i32
          %mul3A_648 = vector.broadcast %mul3A_647 : i32 to vector<16xi32>
          %mul3A_649 = arith.muli %and3A_646, %mul3A_648 : vector<16xi32>
          %add3A_650 = vector.broadcast %add3A : i32 to vector<16xi32>
          %add3A_651 = arith.addi %mul3A_649, %add3A_650 : vector<16xi32>
          %swap3A_652 = arith.constant 0 : index
          %swap3A_653 = tpu.vector_load %arg19[%swap3A_652] {strides = array<i32>} : memref<32xi32, #tpu.memory_space<vmem>>, vector<16xi32>,
          %swap3A_654 = vector.shape_cast %swap3A_653 : vector<16xi32> to vector<16xi32>
          %swap3A_655 = vector.shape_cast %add3A_651 : vector<16xi32> to vector<16xi32>
          tpu.vector_store %arg19[%swap3A_652], %swap3A_655 {strides = array<i32>} : memref<32xi32, #tpu.memory_space<vmem>>, vector<16xi32>,
          %add3A_656 = arith.constant 16 : i32
          %add3A_657 = arith.addi %multiple_of3A_631, %add3A_656 : i32
          %get3A_658 = arith.index_cast %add3A_657 : i32 to index
          %get3A_659 = tpu.vector_load %arg6[%get3A_658] {strides = array<i32>} : memref<10000xi32, #tpu.memory_space<vmem>>, vector<16xi32>,
          %get3A_660 = vector.shape_cast %get3A_659 : vector<16xi32> to vector<16xi32>
          %shift_right_arithmetic3A_661 = arith.constant 14 : i32
          %shift_right_arithmetic3A_662 = vector.broadcast %shift_right_arithmetic3A_661 : i32 to vector<16xi32>
          %shift_right_arithmetic3A_663 = arith.shrsi %get3A_660, %shift_right_arithmetic3A_662 : vector<16xi32>
          %swap3A_664 = arith.constant 16 : index
          %swap3A_665 = tpu.vector_load %arg27[%swap3A_664] {strides = array<i32>} : memref<32xi32, #tpu.memory_space<vmem>>, vector<16xi32>,
          %swap3A_666 = vector.shape_cast %swap3A_665 : vector<16xi32> to vector<16xi32>
          %swap3A_667 = vector.shape_cast %shift_right_arithmetic3A_663 : vector<16xi32> to vector<16xi32>
          tpu.vector_store %arg27[%swap3A_664], %swap3A_667 {strides = array<i32>} : memref<32xi32, #tpu.memory_space<vmem>>, vector<16xi32>,
          %and3A_668 = arith.constant 16383 : i32
          %and3A_669 = vector.broadcast %and3A_668 : i32 to vector<16xi32>
          %and3A_670 = arith.andi %get3A_660, %and3A_669 : vector<16xi32>
          %mul3A_671 = arith.constant 2 : i32
          %mul3A_672 = vector.broadcast %mul3A_671 : i32 to vector<16xi32>
          %mul3A_673 = arith.muli %and3A_670, %mul3A_672 : vector<16xi32>
          %add3A_674 = vector.broadcast %add3A : i32 to vector<16xi32>
          %add3A_675 = arith.addi %mul3A_673, %add3A_674 : vector<16xi32>
          %swap3A_676 = arith.constant 16 : index
          %swap3A_677 = tpu.vector_load %arg19[%swap3A_676] {strides = array<i32>} : memref<32xi32, #tpu.memory_space<vmem>>, vector<16xi32>,
          %swap3A_678 = vector.shape_cast %swap3A_677 : vector<16xi32> to vector<16xi32>
          %swap3A_679 = vector.shape_cast %add3A_675 : vector<16xi32> to vector<16xi32>
          tpu.vector_store %arg19[%swap3A_676], %swap3A_679 {strides = array<i32>} : memref<32xi32, #tpu.memory_space<vmem>>, vector<16xi32>,
          %dma_start3A_680 = arith.constant 0 : i32
          %dma_start3A_681 = arith.constant 0 : i32
          %dma_start3A_682 = tpu.memref_slice %arg2[%dma_start3A_680, %dma_start3A_681] : memref<160000x128xf32, #tpu.memory_space<hbm>> -> memref<160000x128xf32, #tpu.memory_space<hbm>>
          tpu.enqueue_indirect_dma source(%dma_start3A_682 : memref<160000x128xf32, #tpu.memory_space<hbm>>) target(%arg11 : memref<32x128xf32, #tpu.memory_space<vmem>>) offsets(%arg19 : memref<32xi32, #tpu.memory_space<vmem>>) semaphore(%arg35 : memref<!tpu.dma_semaphore, #tpu.memory_space<semaphore_mem>>)
        } else {
        }
        %mul3A_609 = arith.constant 8 : i32
        %mul3A_610 = arith.muli %scan3A_377, %mul3A_609 : i32
        %add3A_611 = arith.constant 7 : i32
        %add3A_612 = arith.addi %mul3A_610, %add3A_611 : i32
        %dma_wait3A_613 = arith.constant 0 : i32
        %dma_wait3A_614 = arith.constant 0 : i32
        %dma_wait3A_615 = tpu.memref_slice %arg2[%dma_wait3A_613, %dma_wait3A_614] : memref<160000x128xf32, #tpu.memory_space<hbm>> -> memref<160000x128xf32, #tpu.memory_space<hbm>>
        tpu.wait_indirect_dma semaphore(%arg38 : memref<!tpu.dma_semaphore, #tpu.memory_space<semaphore_mem>>) src(%dma_wait3A_615 : memref<160000x128xf32, #tpu.memory_space<hbm>>) dst(%arg14 : memref<32x128xf32, #tpu.memory_space<vmem>>)
        %dma_start3A_616 = arith.constant 0 : i32
        %dma_start3A_617 = arith.constant 0 : i32
        %dma_start3A_618 = tpu.memref_slice %arg47[%dma_start3A_616, %dma_start3A_617] : memref<10000x128xf32, #tpu.memory_space<vmem_shared>> -> memref<10000x128xf32, #tpu.memory_space<vmem_shared>>
        tpu.enqueue_indirect_dma source(%arg14 : memref<32x128xf32, #tpu.memory_space<vmem>>) target(%dma_start3A_618 : memref<10000x128xf32, #tpu.memory_space<vmem_shared>>) offsets(%arg30 : memref<32xi32, #tpu.memory_space<vmem>>) semaphore(%arg46 : memref<!tpu.dma_semaphore, #tpu.memory_space<semaphore_mem>>) {add = true}
        %dma_wait3A_619 = arith.constant 0 : i32
        %dma_wait3A_620 = arith.constant 0 : i32
        %dma_wait3A_621 = tpu.memref_slice %arg47[%dma_wait3A_619, %dma_wait3A_620] : memref<10000x128xf32, #tpu.memory_space<vmem_shared>> -> memref<10000x128xf32, #tpu.memory_space<vmem_shared>>
        tpu.wait_indirect_dma semaphore(%arg44 : memref<!tpu.dma_semaphore, #tpu.memory_space<semaphore_mem>>) src(%arg12 : memref<32x128xf32, #tpu.memory_space<vmem>>) dst(%dma_wait3A_621 : memref<10000x128xf32, #tpu.memory_space<vmem_shared>>)
        %lt3A_622 = arith.constant 38 : i32
        %lt3A_623 = arith.cmpi slt, %scan3A_377, %lt3A_622 : i32
        %convert_element_type3A_624 = arith.extui %lt3A_623 : i1 to i32
        %cond3A_625 = arith.constant 0 : i32
        %cond3A_626 = arith.cmpi ne, %convert_element_type3A_624, %cond3A_625 : i32
        scf.if %cond3A_626 {
          %add3A_627 = arith.constant 6 : i32
          %add3A_628 = arith.addi %add3A_612, %add3A_627 : i32
          %mul3A_629 = arith.constant 32 : i32
          %mul3A_630 = arith.muli %add3A_628, %mul3A_629 : i32
          %multiple_of3A_631 = tpu.assume_multiple %mul3A_630, 16 : i32
          %add3A_632 = arith.constant 0 : i32
          %add3A_633 = arith.addi %multiple_of3A_631, %add3A_632 : i32
          %get3A_634 = arith.index_cast %add3A_633 : i32 to index
          %get3A_635 = tpu.vector_load %arg6[%get3A_634] {strides = array<i32>} : memref<10000xi32, #tpu.memory_space<vmem>>, vector<16xi32>,
          %get3A_636 = vector.shape_cast %get3A_635 : vector<16xi32> to vector<16xi32>
          %shift_right_arithmetic3A_637 = arith.constant 14 : i32
          %shift_right_arithmetic3A_638 = vector.broadcast %shift_right_arithmetic3A_637 : i32 to vector<16xi32>
          %shift_right_arithmetic3A_639 = arith.shrsi %get3A_636, %shift_right_arithmetic3A_638 : vector<16xi32>
          %swap3A_640 = arith.constant 0 : index
          %swap3A_641 = tpu.vector_load %arg28[%swap3A_640] {strides = array<i32>} : memref<32xi32, #tpu.memory_space<vmem>>, vector<16xi32>,
          %swap3A_642 = vector.shape_cast %swap3A_641 : vector<16xi32> to vector<16xi32>
          %swap3A_643 = vector.shape_cast %shift_right_arithmetic3A_639 : vector<16xi32> to vector<16xi32>
          tpu.vector_store %arg28[%swap3A_640], %swap3A_643 {strides = array<i32>} : memref<32xi32, #tpu.memory_space<vmem>>, vector<16xi32>,
          %and3A_644 = arith.constant 16383 : i32
          %and3A_645 = vector.broadcast %and3A_644 : i32 to vector<16xi32>
          %and3A_646 = arith.andi %get3A_636, %and3A_645 : vector<16xi32>
          %mul3A_647 = arith.constant 2 : i32
          %mul3A_648 = vector.broadcast %mul3A_647 : i32 to vector<16xi32>
          %mul3A_649 = arith.muli %and3A_646, %mul3A_648 : vector<16xi32>
          %add3A_650 = vector.broadcast %add3A : i32 to vector<16xi32>
          %add3A_651 = arith.addi %mul3A_649, %add3A_650 : vector<16xi32>
          %swap3A_652 = arith.constant 0 : index
          %swap3A_653 = tpu.vector_load %arg20[%swap3A_652] {strides = array<i32>} : memref<32xi32, #tpu.memory_space<vmem>>, vector<16xi32>,
          %swap3A_654 = vector.shape_cast %swap3A_653 : vector<16xi32> to vector<16xi32>
          %swap3A_655 = vector.shape_cast %add3A_651 : vector<16xi32> to vector<16xi32>
          tpu.vector_store %arg20[%swap3A_652], %swap3A_655 {strides = array<i32>} : memref<32xi32, #tpu.memory_space<vmem>>, vector<16xi32>,
          %add3A_656 = arith.constant 16 : i32
          %add3A_657 = arith.addi %multiple_of3A_631, %add3A_656 : i32
          %get3A_658 = arith.index_cast %add3A_657 : i32 to index
          %get3A_659 = tpu.vector_load %arg6[%get3A_658] {strides = array<i32>} : memref<10000xi32, #tpu.memory_space<vmem>>, vector<16xi32>,
          %get3A_660 = vector.shape_cast %get3A_659 : vector<16xi32> to vector<16xi32>
          %shift_right_arithmetic3A_661 = arith.constant 14 : i32
          %shift_right_arithmetic3A_662 = vector.broadcast %shift_right_arithmetic3A_661 : i32 to vector<16xi32>
          %shift_right_arithmetic3A_663 = arith.shrsi %get3A_660, %shift_right_arithmetic3A_662 : vector<16xi32>
          %swap3A_664 = arith.constant 16 : index
          %swap3A_665 = tpu.vector_load %arg28[%swap3A_664] {strides = array<i32>} : memref<32xi32, #tpu.memory_space<vmem>>, vector<16xi32>,
          %swap3A_666 = vector.shape_cast %swap3A_665 : vector<16xi32> to vector<16xi32>
          %swap3A_667 = vector.shape_cast %shift_right_arithmetic3A_663 : vector<16xi32> to vector<16xi32>
          tpu.vector_store %arg28[%swap3A_664], %swap3A_667 {strides = array<i32>} : memref<32xi32, #tpu.memory_space<vmem>>, vector<16xi32>,
          %and3A_668 = arith.constant 16383 : i32
          %and3A_669 = vector.broadcast %and3A_668 : i32 to vector<16xi32>
          %and3A_670 = arith.andi %get3A_660, %and3A_669 : vector<16xi32>
          %mul3A_671 = arith.constant 2 : i32
          %mul3A_672 = vector.broadcast %mul3A_671 : i32 to vector<16xi32>
          %mul3A_673 = arith.muli %and3A_670, %mul3A_672 : vector<16xi32>
          %add3A_674 = vector.broadcast %add3A : i32 to vector<16xi32>
          %add3A_675 = arith.addi %mul3A_673, %add3A_674 : vector<16xi32>
          %swap3A_676 = arith.constant 16 : index
          %swap3A_677 = tpu.vector_load %arg20[%swap3A_676] {strides = array<i32>} : memref<32xi32, #tpu.memory_space<vmem>>, vector<16xi32>,
          %swap3A_678 = vector.shape_cast %swap3A_677 : vector<16xi32> to vector<16xi32>
          %swap3A_679 = vector.shape_cast %add3A_675 : vector<16xi32> to vector<16xi32>
          tpu.vector_store %arg20[%swap3A_676], %swap3A_679 {strides = array<i32>} : memref<32xi32, #tpu.memory_space<vmem>>, vector<16xi32>,
          %dma_start3A_680 = arith.constant 0 : i32
          %dma_start3A_681 = arith.constant 0 : i32
          %dma_start3A_682 = tpu.memref_slice %arg2[%dma_start3A_680, %dma_start3A_681] : memref<160000x128xf32, #tpu.memory_space<hbm>> -> memref<160000x128xf32, #tpu.memory_space<hbm>>
          tpu.enqueue_indirect_dma source(%dma_start3A_682 : memref<160000x128xf32, #tpu.memory_space<hbm>>) target(%arg12 : memref<32x128xf32, #tpu.memory_space<vmem>>) offsets(%arg20 : memref<32xi32, #tpu.memory_space<vmem>>) semaphore(%arg36 : memref<!tpu.dma_semaphore, #tpu.memory_space<semaphore_mem>>)
        } else {
        }
      }
      %scan3A_332 = arith.constant 39 : i32
      %get3A_333 = arith.constant 9984 : index
      %get3A_334 = tpu.vector_load %arg6[%get3A_333] {strides = array<i32>} : memref<10000xi32, #tpu.memory_space<vmem>>, vector<16xi32>,
      %get3A_335 = vector.shape_cast %get3A_334 : vector<16xi32> to vector<16xi32>
      %shift_right_arithmetic3A_336 = arith.constant 14 : i32
      %shift_right_arithmetic3A_337 = vector.broadcast %shift_right_arithmetic3A_336 : i32 to vector<16xi32>
      %shift_right_arithmetic3A_338 = arith.shrsi %get3A_335, %shift_right_arithmetic3A_337 : vector<16xi32>
      %swap3A_339 = arith.constant 0 : index
      %swap3A_340 = tpu.vector_load %arg50[%swap3A_339] {strides = array<i32>} : memref<16xi32, #tpu.memory_space<vmem>>, vector<16xi32>,
      %swap3A_341 = vector.shape_cast %swap3A_340 : vector<16xi32> to vector<16xi32>
      %swap3A_342 = vector.shape_cast %shift_right_arithmetic3A_338 : vector<16xi32> to vector<16xi32>
      tpu.vector_store %arg50[%swap3A_339], %swap3A_342 {strides = array<i32>} : memref<16xi32, #tpu.memory_space<vmem>>, vector<16xi32>,
      %and3A_343 = arith.constant 16383 : i32
      %and3A_344 = vector.broadcast %and3A_343 : i32 to vector<16xi32>
      %and3A_345 = arith.andi %get3A_335, %and3A_344 : vector<16xi32>
      %mul3A_346 = arith.constant 2 : i32
      %mul3A_347 = vector.broadcast %mul3A_346 : i32 to vector<16xi32>
      %mul3A_348 = arith.muli %and3A_345, %mul3A_347 : vector<16xi32>
      %add3A_349 = vector.broadcast %add3A : i32 to vector<16xi32>
      %add3A_350 = arith.addi %mul3A_348, %add3A_349 : vector<16xi32>
      %swap3A_351 = arith.constant 0 : index
      %swap3A_352 = tpu.vector_load %arg49[%swap3A_351] {strides = array<i32>} : memref<16xi32, #tpu.memory_space<vmem>>, vector<16xi32>,
      %swap3A_353 = vector.shape_cast %swap3A_352 : vector<16xi32> to vector<16xi32>
      %swap3A_354 = vector.shape_cast %add3A_350 : vector<16xi32> to vector<16xi32>
      tpu.vector_store %arg49[%swap3A_351], %swap3A_354 {strides = array<i32>} : memref<16xi32, #tpu.memory_space<vmem>>, vector<16xi32>,
      %dma_start3A_355 = arith.constant 0 : i32
      %dma_start3A_356 = arith.constant 0 : i32
      %dma_start3A_357 = tpu.memref_slice %arg2[%dma_start3A_355, %dma_start3A_356] : memref<160000x128xf32, #tpu.memory_space<hbm>> -> memref<160000x128xf32, #tpu.memory_space<hbm>>
      tpu.enqueue_indirect_dma source(%dma_start3A_357 : memref<160000x128xf32, #tpu.memory_space<hbm>>) target(%arg48 : memref<16x128xf32, #tpu.memory_space<vmem>>) offsets(%arg49 : memref<16xi32, #tpu.memory_space<vmem>>) semaphore(%arg51 : memref<!tpu.dma_semaphore, #tpu.memory_space<semaphore_mem>>)
      %dma_wait3A = arith.constant 0 : i32
      %dma_wait3A_358 = arith.constant 0 : i32
      %dma_wait3A_359 = tpu.memref_slice %arg47[%dma_wait3A, %dma_wait3A_358] : memref<10000x128xf32, #tpu.memory_space<vmem_shared>> -> memref<10000x128xf32, #tpu.memory_space<vmem_shared>>
      tpu.wait_indirect_dma semaphore(%arg45 : memref<!tpu.dma_semaphore, #tpu.memory_space<semaphore_mem>>) src(%arg13 : memref<32x128xf32, #tpu.memory_space<vmem>>) dst(%dma_wait3A_359 : memref<10000x128xf32, #tpu.memory_space<vmem_shared>>)
      %dma_wait3A_360 = arith.constant 0 : i32
      %dma_wait3A_361 = arith.constant 0 : i32
      %dma_wait3A_362 = tpu.memref_slice %arg47[%dma_wait3A_360, %dma_wait3A_361] : memref<10000x128xf32, #tpu.memory_space<vmem_shared>> -> memref<10000x128xf32, #tpu.memory_space<vmem_shared>>
      tpu.wait_indirect_dma semaphore(%arg46 : memref<!tpu.dma_semaphore, #tpu.memory_space<semaphore_mem>>) src(%arg14 : memref<32x128xf32, #tpu.memory_space<vmem>>) dst(%dma_wait3A_362 : memref<10000x128xf32, #tpu.memory_space<vmem_shared>>)
      %dma_wait3A_363 = arith.constant 0 : i32
      %dma_wait3A_364 = arith.constant 0 : i32
      %dma_wait3A_365 = tpu.memref_slice %arg2[%dma_wait3A_363, %dma_wait3A_364] : memref<160000x128xf32, #tpu.memory_space<hbm>> -> memref<160000x128xf32, #tpu.memory_space<hbm>>
      tpu.wait_indirect_dma semaphore(%arg51 : memref<!tpu.dma_semaphore, #tpu.memory_space<semaphore_mem>>) src(%dma_wait3A_365 : memref<160000x128xf32, #tpu.memory_space<hbm>>) dst(%arg48 : memref<16x128xf32, #tpu.memory_space<vmem>>)
      "tpu.region"() ({
        %run_scoped3A = tpu.sem_alloc : memref<!tpu.dma_semaphore, #tpu.memory_space<semaphore_mem>>
        %dma_start3A_377 = arith.constant 0 : i32
        %dma_start3A_378 = arith.constant 0 : i32
        %dma_start3A_379 = tpu.memref_slice %arg47[%dma_start3A_377, %dma_start3A_378] : memref<10000x128xf32, #tpu.memory_space<vmem_shared>> -> memref<10000x128xf32, #tpu.memory_space<vmem_shared>>
        tpu.enqueue_indirect_dma source(%arg48 : memref<16x128xf32, #tpu.memory_space<vmem>>) target(%dma_start3A_379 : memref<10000x128xf32, #tpu.memory_space<vmem_shared>>) offsets(%arg50 : memref<16xi32, #tpu.memory_space<vmem>>) semaphore(%run_scoped3A : memref<!tpu.dma_semaphore, #tpu.memory_space<semaphore_mem>>) {add = true}
        %dma_wait3A_380 = arith.constant 0 : i32
        %dma_wait3A_381 = arith.constant 0 : i32
        %dma_wait3A_382 = tpu.memref_slice %arg47[%dma_wait3A_380, %dma_wait3A_381] : memref<10000x128xf32, #tpu.memory_space<vmem_shared>> -> memref<10000x128xf32, #tpu.memory_space<vmem_shared>>
        tpu.wait_indirect_dma semaphore(%run_scoped3A : memref<!tpu.dma_semaphore, #tpu.memory_space<semaphore_mem>>) src(%arg48 : memref<16x128xf32, #tpu.memory_space<vmem>>) dst(%dma_wait3A_382 : memref<10000x128xf32, #tpu.memory_space<vmem_shared>>)
        tpu.yield
      }) : () -> ()
      %barrier3A_366 = arith.constant 0 : index
      tpu.barrier barrier_id(%barrier3A_366)
      %lt3A_367 = arith.constant 15 : i32
      %lt3A_368 = arith.cmpi slt, %arg1, %lt3A_367 : i32
      %convert_element_type3A_369 = arith.extui %lt3A_368 : i1 to i32
      %cond3A_370 = arith.constant 0 : i32
      %cond3A_371 = arith.cmpi ne, %convert_element_type3A_369, %cond3A_370 : i32
      scf.if %cond3A_371 {
        %mul3A_377 = arith.constant 640 : i32
        %mul3A_378 = arith.muli %arg1, %mul3A_377 : i32
        %mul3A_379 = arith.constant 640 : i32
        %mul3A_380 = arith.muli %arg1, %mul3A_379 : i32
        %mul3A_381 = arith.constant 128 : i32
        %mul3A_382 = arith.muli %arg0, %mul3A_381 : i32
        "tpu.region"() ({
          %run_scoped3A = tpu.sem_alloc : memref<!tpu.dma_semaphore, #tpu.memory_space<semaphore_mem>>
          %dma_start3A_383 = tpu.memref_slice %arg5[%scan3A_6, %mul3A_380, %mul3A_382] : memref<8x10000x256xf32, #tpu.memory_space<hbm>> -> memref<1x640x128xf32, #tpu.memory_space<hbm>>
          %dma_start3A_384 = tpu.memref_squeeze %dma_start3A_383 : memref<1x640x128xf32, #tpu.memory_space<hbm>> -> memref<640x128xf32, #tpu.memory_space<hbm>>
          %dma_start3A_385 = arith.constant 0 : i32
          %dma_start3A_386 = tpu.memref_slice %arg47[%mul3A_378, %dma_start3A_385] : memref<10000x128xf32, #tpu.memory_space<vmem_shared>> -> memref<640x128xf32, #tpu.memory_space<vmem_shared>>
          tpu.enqueue_dma source(%dma_start3A_386 : memref<640x128xf32, #tpu.memory_space<vmem_shared>>) target(%dma_start3A_384 : memref<640x128xf32, #tpu.memory_space<hbm>>) target_semaphore(%run_scoped3A : memref<!tpu.dma_semaphore, #tpu.memory_space<semaphore_mem>>)
          %dma_wait3A_387 = tpu.memref_slice %arg5[%scan3A_6, %mul3A_380, %mul3A_382] : memref<8x10000x256xf32, #tpu.memory_space<hbm>> -> memref<1x640x128xf32, #tpu.memory_space<hbm>>
          %dma_wait3A_388 = tpu.memref_squeeze %dma_wait3A_387 : memref<1x640x128xf32, #tpu.memory_space<hbm>> -> memref<640x128xf32, #tpu.memory_space<hbm>>
          %dma_wait3A_389 = arith.constant 0 : i32
          %dma_wait3A_390 = tpu.memref_slice %arg47[%mul3A_378, %dma_wait3A_389] : memref<10000x128xf32, #tpu.memory_space<vmem_shared>> -> memref<640x128xf32, #tpu.memory_space<vmem_shared>>
          tpu.wait_dma2 semaphore(%run_scoped3A : memref<!tpu.dma_semaphore, #tpu.memory_space<semaphore_mem>>) src(%dma_wait3A_390 : memref<640x128xf32, #tpu.memory_space<vmem_shared>>) dst(%dma_wait3A_388 : memref<640x128xf32, #tpu.memory_space<hbm>>)
          tpu.yield
        }) : () -> ()
      } else {
      }
      %eq3A_372 = arith.constant 15 : i32
      %eq3A_373 = arith.cmpi eq, %arg1, %eq3A_372 : i32
      %convert_element_type3A_374 = arith.extui %eq3A_373 : i1 to i32
      %cond3A_375 = arith.constant 0 : i32
      %cond3A_376 = arith.cmpi ne, %convert_element_type3A_374, %cond3A_375 : i32
      scf.if %cond3A_376 {
        %mul3A_377 = arith.constant 128 : i32
        %mul3A_378 = arith.muli %arg0, %mul3A_377 : i32
        "tpu.region"() ({
          %run_scoped3A = tpu.sem_alloc : memref<!tpu.dma_semaphore, #tpu.memory_space<semaphore_mem>>
          %dma_start3A_379 = arith.constant 9600 : i32
          %dma_start3A_380 = tpu.memref_slice %arg5[%scan3A_6, %dma_start3A_379, %mul3A_378] : memref<8x10000x256xf32, #tpu.memory_space<hbm>> -> memref<1x400x128xf32, #tpu.memory_space<hbm>>
          %dma_start3A_381 = tpu.memref_squeeze %dma_start3A_380 : memref<1x400x128xf32, #tpu.memory_space<hbm>> -> memref<400x128xf32, #tpu.memory_space<hbm>>
          %dma_start3A_382 = arith.constant 9600 : i32
          %dma_start3A_383 = arith.constant 0 : i32
          %dma_start3A_384 = tpu.memref_slice %arg47[%dma_start3A_382, %dma_start3A_383] : memref<10000x128xf32, #tpu.memory_space<vmem_shared>> -> memref<400x128xf32, #tpu.memory_space<vmem_shared>>
          tpu.enqueue_dma source(%dma_start3A_384 : memref<400x128xf32, #tpu.memory_space<vmem_shared>>) target(%dma_start3A_381 : memref<400x128xf32, #tpu.memory_space<hbm>>) target_semaphore(%run_scoped3A : memref<!tpu.dma_semaphore, #tpu.memory_space<semaphore_mem>>)
          %dma_wait3A_385 = arith.constant 9600 : i32
          %dma_wait3A_386 = tpu.memref_slice %arg5[%scan3A_6, %dma_wait3A_385, %mul3A_378] : memref<8x10000x256xf32, #tpu.memory_space<hbm>> -> memref<1x400x128xf32, #tpu.memory_space<hbm>>
          %dma_wait3A_387 = tpu.memref_squeeze %dma_wait3A_386 : memref<1x400x128xf32, #tpu.memory_space<hbm>> -> memref<400x128xf32, #tpu.memory_space<hbm>>
          %dma_wait3A_388 = arith.constant 9600 : i32
          %dma_wait3A_389 = arith.constant 0 : i32
          %dma_wait3A_390 = tpu.memref_slice %arg47[%dma_wait3A_388, %dma_wait3A_389] : memref<10000x128xf32, #tpu.memory_space<vmem_shared>> -> memref<400x128xf32, #tpu.memory_space<vmem_shared>>
          tpu.wait_dma2 semaphore(%run_scoped3A : memref<!tpu.dma_semaphore, #tpu.memory_space<semaphore_mem>>) src(%dma_wait3A_390 : memref<400x128xf32, #tpu.memory_space<vmem_shared>>) dst(%dma_wait3A_387 : memref<400x128xf32, #tpu.memory_space<hbm>>)
          tpu.yield
        }) : () -> ()
      } else {
      }
    }
    %scan3A_5 = arith.constant 8 : i32
    return
  }
}

#map = affine_map<(d0, d1) -> (0, 0)>
module attributes {stable_mosaic.version = 14 : i64} {
  func.func @_deg_body(%arg0: i32, %arg1: i32, %arg2: memref<2560x64xi32, #tpu.memory_space<hbm>>, %arg3: memref<2x10240xf32, #tpu.memory_space<hbm>>, %arg4: memref<80x64xi32, #tpu.memory_space<vmem>>, %arg5: memref<64xf32, #tpu.memory_space<vmem>>, %arg6: memref<640xf32, #tpu.memory_space<vmem>>, %arg7: memref<10240xf32, #tpu.memory_space<vmem_shared>>) attributes {dimension_semantics = [#tpu.dimension_semantics<core_parallel>, #tpu.dimension_semantics<subcore_parallel>], iteration_bounds = array<i64: 2, 16>, scalar_prefetch = 0 : i64, scratch_operands = 4 : i64, tpu.core_type = #tpu.core_type<sc_vector_subcore>, window_params = [{transform_indices = #map}, {transform_indices = #map}]} {
    %broadcast_in_dim3A = arith.constant 1.000000e+00 : f32
    %broadcast_in_dim3A_0 = vector.broadcast %broadcast_in_dim3A : f32 to vector<16xf32>
    %swap3A = arith.constant 0 : index
    %swap3A_1 = tpu.vector_load %arg5[%swap3A] {strides = array<i32>} : memref<64xf32, #tpu.memory_space<vmem>>, vector<16xf32>,
    %swap3A_2 = vector.shape_cast %swap3A_1 : vector<16xf32> to vector<16xf32>
    %swap3A_3 = vector.shape_cast %broadcast_in_dim3A_0 : vector<16xf32> to vector<16xf32>
    tpu.vector_store %arg5[%swap3A], %swap3A_3 {strides = array<i32>} : memref<64xf32, #tpu.memory_space<vmem>>, vector<16xf32>,
    %swap3A_4 = arith.constant 16 : index
    %swap3A_5 = tpu.vector_load %arg5[%swap3A_4] {strides = array<i32>} : memref<64xf32, #tpu.memory_space<vmem>>, vector<16xf32>,
    %swap3A_6 = vector.shape_cast %swap3A_5 : vector<16xf32> to vector<16xf32>
    %swap3A_7 = vector.shape_cast %broadcast_in_dim3A_0 : vector<16xf32> to vector<16xf32>
    tpu.vector_store %arg5[%swap3A_4], %swap3A_7 {strides = array<i32>} : memref<64xf32, #tpu.memory_space<vmem>>, vector<16xf32>,
    %swap3A_8 = arith.constant 32 : index
    %swap3A_9 = tpu.vector_load %arg5[%swap3A_8] {strides = array<i32>} : memref<64xf32, #tpu.memory_space<vmem>>, vector<16xf32>,
    %swap3A_10 = vector.shape_cast %swap3A_9 : vector<16xf32> to vector<16xf32>
    %swap3A_11 = vector.shape_cast %broadcast_in_dim3A_0 : vector<16xf32> to vector<16xf32>
    tpu.vector_store %arg5[%swap3A_8], %swap3A_11 {strides = array<i32>} : memref<64xf32, #tpu.memory_space<vmem>>, vector<16xf32>,
    %swap3A_12 = arith.constant 48 : index
    %swap3A_13 = tpu.vector_load %arg5[%swap3A_12] {strides = array<i32>} : memref<64xf32, #tpu.memory_space<vmem>>, vector<16xf32>,
    %swap3A_14 = vector.shape_cast %swap3A_13 : vector<16xf32> to vector<16xf32>
    %swap3A_15 = vector.shape_cast %broadcast_in_dim3A_0 : vector<16xf32> to vector<16xf32>
    tpu.vector_store %arg5[%swap3A_12], %swap3A_15 {strides = array<i32>} : memref<64xf32, #tpu.memory_space<vmem>>, vector<16xf32>,
    %swap3A_16 = arith.constant 0 : index
    %swap3A_17 = tpu.vector_load %arg6[%swap3A_16] {strides = array<i32>} : memref<640xf32, #tpu.memory_space<vmem>>, vector<16xf32>,
    %swap3A_18 = vector.shape_cast %swap3A_17 : vector<16xf32> to vector<16xf32>
    %swap3A_19 = vector.shape_cast %broadcast_in_dim3A_0 : vector<16xf32> to vector<16xf32>
    tpu.vector_store %arg6[%swap3A_16], %swap3A_19 {strides = array<i32>} : memref<640xf32, #tpu.memory_space<vmem>>, vector<16xf32>,
    %swap3A_20 = arith.constant 16 : index
    %swap3A_21 = tpu.vector_load %arg6[%swap3A_20] {strides = array<i32>} : memref<640xf32, #tpu.memory_space<vmem>>, vector<16xf32>,
    %swap3A_22 = vector.shape_cast %swap3A_21 : vector<16xf32> to vector<16xf32>
    %swap3A_23 = vector.shape_cast %broadcast_in_dim3A_0 : vector<16xf32> to vector<16xf32>
    tpu.vector_store %arg6[%swap3A_20], %swap3A_23 {strides = array<i32>} : memref<640xf32, #tpu.memory_space<vmem>>, vector<16xf32>,
    %swap3A_24 = arith.constant 32 : index
    %swap3A_25 = tpu.vector_load %arg6[%swap3A_24] {strides = array<i32>} : memref<640xf32, #tpu.memory_space<vmem>>, vector<16xf32>,
    %swap3A_26 = vector.shape_cast %swap3A_25 : vector<16xf32> to vector<16xf32>
    %swap3A_27 = vector.shape_cast %broadcast_in_dim3A_0 : vector<16xf32> to vector<16xf32>
    tpu.vector_store %arg6[%swap3A_24], %swap3A_27 {strides = array<i32>} : memref<640xf32, #tpu.memory_space<vmem>>, vector<16xf32>,
    %swap3A_28 = arith.constant 48 : index
    %swap3A_29 = tpu.vector_load %arg6[%swap3A_28] {strides = array<i32>} : memref<640xf32, #tpu.memory_space<vmem>>, vector<16xf32>,
    %swap3A_30 = vector.shape_cast %swap3A_29 : vector<16xf32> to vector<16xf32>
    %swap3A_31 = vector.shape_cast %broadcast_in_dim3A_0 : vector<16xf32> to vector<16xf32>
    tpu.vector_store %arg6[%swap3A_28], %swap3A_31 {strides = array<i32>} : memref<640xf32, #tpu.memory_space<vmem>>, vector<16xf32>,
    %swap3A_32 = arith.constant 64 : index
    %swap3A_33 = tpu.vector_load %arg6[%swap3A_32] {strides = array<i32>} : memref<640xf32, #tpu.memory_space<vmem>>, vector<16xf32>,
    %swap3A_34 = vector.shape_cast %swap3A_33 : vector<16xf32> to vector<16xf32>
    %swap3A_35 = vector.shape_cast %broadcast_in_dim3A_0 : vector<16xf32> to vector<16xf32>
    tpu.vector_store %arg6[%swap3A_32], %swap3A_35 {strides = array<i32>} : memref<640xf32, #tpu.memory_space<vmem>>, vector<16xf32>,
    %swap3A_36 = arith.constant 80 : index
    %swap3A_37 = tpu.vector_load %arg6[%swap3A_36] {strides = array<i32>} : memref<640xf32, #tpu.memory_space<vmem>>, vector<16xf32>,
    %swap3A_38 = vector.shape_cast %swap3A_37 : vector<16xf32> to vector<16xf32>
    %swap3A_39 = vector.shape_cast %broadcast_in_dim3A_0 : vector<16xf32> to vector<16xf32>
    tpu.vector_store %arg6[%swap3A_36], %swap3A_39 {strides = array<i32>} : memref<640xf32, #tpu.memory_space<vmem>>, vector<16xf32>,
    %swap3A_40 = arith.constant 96 : index
    %swap3A_41 = tpu.vector_load %arg6[%swap3A_40] {strides = array<i32>} : memref<640xf32, #tpu.memory_space<vmem>>, vector<16xf32>,
    %swap3A_42 = vector.shape_cast %swap3A_41 : vector<16xf32> to vector<16xf32>
    %swap3A_43 = vector.shape_cast %broadcast_in_dim3A_0 : vector<16xf32> to vector<16xf32>
    tpu.vector_store %arg6[%swap3A_40], %swap3A_43 {strides = array<i32>} : memref<640xf32, #tpu.memory_space<vmem>>, vector<16xf32>,
    %swap3A_44 = arith.constant 112 : index
    %swap3A_45 = tpu.vector_load %arg6[%swap3A_44] {strides = array<i32>} : memref<640xf32, #tpu.memory_space<vmem>>, vector<16xf32>,
    %swap3A_46 = vector.shape_cast %swap3A_45 : vector<16xf32> to vector<16xf32>
    %swap3A_47 = vector.shape_cast %broadcast_in_dim3A_0 : vector<16xf32> to vector<16xf32>
    tpu.vector_store %arg6[%swap3A_44], %swap3A_47 {strides = array<i32>} : memref<640xf32, #tpu.memory_space<vmem>>, vector<16xf32>,
    %swap3A_48 = arith.constant 128 : index
    %swap3A_49 = tpu.vector_load %arg6[%swap3A_48] {strides = array<i32>} : memref<640xf32, #tpu.memory_space<vmem>>, vector<16xf32>,
    %swap3A_50 = vector.shape_cast %swap3A_49 : vector<16xf32> to vector<16xf32>
    %swap3A_51 = vector.shape_cast %broadcast_in_dim3A_0 : vector<16xf32> to vector<16xf32>
    tpu.vector_store %arg6[%swap3A_48], %swap3A_51 {strides = array<i32>} : memref<640xf32, #tpu.memory_space<vmem>>, vector<16xf32>,
    %swap3A_52 = arith.constant 144 : index
    %swap3A_53 = tpu.vector_load %arg6[%swap3A_52] {strides = array<i32>} : memref<640xf32, #tpu.memory_space<vmem>>, vector<16xf32>,
    %swap3A_54 = vector.shape_cast %swap3A_53 : vector<16xf32> to vector<16xf32>
    %swap3A_55 = vector.shape_cast %broadcast_in_dim3A_0 : vector<16xf32> to vector<16xf32>
    tpu.vector_store %arg6[%swap3A_52], %swap3A_55 {strides = array<i32>} : memref<640xf32, #tpu.memory_space<vmem>>, vector<16xf32>,
    %swap3A_56 = arith.constant 160 : index
    %swap3A_57 = tpu.vector_load %arg6[%swap3A_56] {strides = array<i32>} : memref<640xf32, #tpu.memory_space<vmem>>, vector<16xf32>,
    %swap3A_58 = vector.shape_cast %swap3A_57 : vector<16xf32> to vector<16xf32>
    %swap3A_59 = vector.shape_cast %broadcast_in_dim3A_0 : vector<16xf32> to vector<16xf32>
    tpu.vector_store %arg6[%swap3A_56], %swap3A_59 {strides = array<i32>} : memref<640xf32, #tpu.memory_space<vmem>>, vector<16xf32>,
    %swap3A_60 = arith.constant 176 : index
    %swap3A_61 = tpu.vector_load %arg6[%swap3A_60] {strides = array<i32>} : memref<640xf32, #tpu.memory_space<vmem>>, vector<16xf32>,
    %swap3A_62 = vector.shape_cast %swap3A_61 : vector<16xf32> to vector<16xf32>
    %swap3A_63 = vector.shape_cast %broadcast_in_dim3A_0 : vector<16xf32> to vector<16xf32>
    tpu.vector_store %arg6[%swap3A_60], %swap3A_63 {strides = array<i32>} : memref<640xf32, #tpu.memory_space<vmem>>, vector<16xf32>,
    %swap3A_64 = arith.constant 192 : index
    %swap3A_65 = tpu.vector_load %arg6[%swap3A_64] {strides = array<i32>} : memref<640xf32, #tpu.memory_space<vmem>>, vector<16xf32>,
    %swap3A_66 = vector.shape_cast %swap3A_65 : vector<16xf32> to vector<16xf32>
    %swap3A_67 = vector.shape_cast %broadcast_in_dim3A_0 : vector<16xf32> to vector<16xf32>
    tpu.vector_store %arg6[%swap3A_64], %swap3A_67 {strides = array<i32>} : memref<640xf32, #tpu.memory_space<vmem>>, vector<16xf32>,
    %swap3A_68 = arith.constant 208 : index
    %swap3A_69 = tpu.vector_load %arg6[%swap3A_68] {strides = array<i32>} : memref<640xf32, #tpu.memory_space<vmem>>, vector<16xf32>,
    %swap3A_70 = vector.shape_cast %swap3A_69 : vector<16xf32> to vector<16xf32>
    %swap3A_71 = vector.shape_cast %broadcast_in_dim3A_0 : vector<16xf32> to vector<16xf32>
    tpu.vector_store %arg6[%swap3A_68], %swap3A_71 {strides = array<i32>} : memref<640xf32, #tpu.memory_space<vmem>>, vector<16xf32>,
    %swap3A_72 = arith.constant 224 : index
    %swap3A_73 = tpu.vector_load %arg6[%swap3A_72] {strides = array<i32>} : memref<640xf32, #tpu.memory_space<vmem>>, vector<16xf32>,
    %swap3A_74 = vector.shape_cast %swap3A_73 : vector<16xf32> to vector<16xf32>
    %swap3A_75 = vector.shape_cast %broadcast_in_dim3A_0 : vector<16xf32> to vector<16xf32>
    tpu.vector_store %arg6[%swap3A_72], %swap3A_75 {strides = array<i32>} : memref<640xf32, #tpu.memory_space<vmem>>, vector<16xf32>,
    %swap3A_76 = arith.constant 240 : index
    %swap3A_77 = tpu.vector_load %arg6[%swap3A_76] {strides = array<i32>} : memref<640xf32, #tpu.memory_space<vmem>>, vector<16xf32>,
    %swap3A_78 = vector.shape_cast %swap3A_77 : vector<16xf32> to vector<16xf32>
    %swap3A_79 = vector.shape_cast %broadcast_in_dim3A_0 : vector<16xf32> to vector<16xf32>
    tpu.vector_store %arg6[%swap3A_76], %swap3A_79 {strides = array<i32>} : memref<640xf32, #tpu.memory_space<vmem>>, vector<16xf32>,
    %swap3A_80 = arith.constant 256 : index
    %swap3A_81 = tpu.vector_load %arg6[%swap3A_80] {strides = array<i32>} : memref<640xf32, #tpu.memory_space<vmem>>, vector<16xf32>,
    %swap3A_82 = vector.shape_cast %swap3A_81 : vector<16xf32> to vector<16xf32>
    %swap3A_83 = vector.shape_cast %broadcast_in_dim3A_0 : vector<16xf32> to vector<16xf32>
    tpu.vector_store %arg6[%swap3A_80], %swap3A_83 {strides = array<i32>} : memref<640xf32, #tpu.memory_space<vmem>>, vector<16xf32>,
    %swap3A_84 = arith.constant 272 : index
    %swap3A_85 = tpu.vector_load %arg6[%swap3A_84] {strides = array<i32>} : memref<640xf32, #tpu.memory_space<vmem>>, vector<16xf32>,
    %swap3A_86 = vector.shape_cast %swap3A_85 : vector<16xf32> to vector<16xf32>
    %swap3A_87 = vector.shape_cast %broadcast_in_dim3A_0 : vector<16xf32> to vector<16xf32>
    tpu.vector_store %arg6[%swap3A_84], %swap3A_87 {strides = array<i32>} : memref<640xf32, #tpu.memory_space<vmem>>, vector<16xf32>,
    %swap3A_88 = arith.constant 288 : index
    %swap3A_89 = tpu.vector_load %arg6[%swap3A_88] {strides = array<i32>} : memref<640xf32, #tpu.memory_space<vmem>>, vector<16xf32>,
    %swap3A_90 = vector.shape_cast %swap3A_89 : vector<16xf32> to vector<16xf32>
    %swap3A_91 = vector.shape_cast %broadcast_in_dim3A_0 : vector<16xf32> to vector<16xf32>
    tpu.vector_store %arg6[%swap3A_88], %swap3A_91 {strides = array<i32>} : memref<640xf32, #tpu.memory_space<vmem>>, vector<16xf32>,
    %swap3A_92 = arith.constant 304 : index
    %swap3A_93 = tpu.vector_load %arg6[%swap3A_92] {strides = array<i32>} : memref<640xf32, #tpu.memory_space<vmem>>, vector<16xf32>,
    %swap3A_94 = vector.shape_cast %swap3A_93 : vector<16xf32> to vector<16xf32>
    %swap3A_95 = vector.shape_cast %broadcast_in_dim3A_0 : vector<16xf32> to vector<16xf32>
    tpu.vector_store %arg6[%swap3A_92], %swap3A_95 {strides = array<i32>} : memref<640xf32, #tpu.memory_space<vmem>>, vector<16xf32>,
    %swap3A_96 = arith.constant 320 : index
    %swap3A_97 = tpu.vector_load %arg6[%swap3A_96] {strides = array<i32>} : memref<640xf32, #tpu.memory_space<vmem>>, vector<16xf32>,
    %swap3A_98 = vector.shape_cast %swap3A_97 : vector<16xf32> to vector<16xf32>
    %swap3A_99 = vector.shape_cast %broadcast_in_dim3A_0 : vector<16xf32> to vector<16xf32>
    tpu.vector_store %arg6[%swap3A_96], %swap3A_99 {strides = array<i32>} : memref<640xf32, #tpu.memory_space<vmem>>, vector<16xf32>,
    %swap3A_100 = arith.constant 336 : index
    %swap3A_101 = tpu.vector_load %arg6[%swap3A_100] {strides = array<i32>} : memref<640xf32, #tpu.memory_space<vmem>>, vector<16xf32>,
    %swap3A_102 = vector.shape_cast %swap3A_101 : vector<16xf32> to vector<16xf32>
    %swap3A_103 = vector.shape_cast %broadcast_in_dim3A_0 : vector<16xf32> to vector<16xf32>
    tpu.vector_store %arg6[%swap3A_100], %swap3A_103 {strides = array<i32>} : memref<640xf32, #tpu.memory_space<vmem>>, vector<16xf32>,
    %swap3A_104 = arith.constant 352 : index
    %swap3A_105 = tpu.vector_load %arg6[%swap3A_104] {strides = array<i32>} : memref<640xf32, #tpu.memory_space<vmem>>, vector<16xf32>,
    %swap3A_106 = vector.shape_cast %swap3A_105 : vector<16xf32> to vector<16xf32>
    %swap3A_107 = vector.shape_cast %broadcast_in_dim3A_0 : vector<16xf32> to vector<16xf32>
    tpu.vector_store %arg6[%swap3A_104], %swap3A_107 {strides = array<i32>} : memref<640xf32, #tpu.memory_space<vmem>>, vector<16xf32>,
    %swap3A_108 = arith.constant 368 : index
    %swap3A_109 = tpu.vector_load %arg6[%swap3A_108] {strides = array<i32>} : memref<640xf32, #tpu.memory_space<vmem>>, vector<16xf32>,
    %swap3A_110 = vector.shape_cast %swap3A_109 : vector<16xf32> to vector<16xf32>
    %swap3A_111 = vector.shape_cast %broadcast_in_dim3A_0 : vector<16xf32> to vector<16xf32>
    tpu.vector_store %arg6[%swap3A_108], %swap3A_111 {strides = array<i32>} : memref<640xf32, #tpu.memory_space<vmem>>, vector<16xf32>,
    %swap3A_112 = arith.constant 384 : index
    %swap3A_113 = tpu.vector_load %arg6[%swap3A_112] {strides = array<i32>} : memref<640xf32, #tpu.memory_space<vmem>>, vector<16xf32>,
    %swap3A_114 = vector.shape_cast %swap3A_113 : vector<16xf32> to vector<16xf32>
    %swap3A_115 = vector.shape_cast %broadcast_in_dim3A_0 : vector<16xf32> to vector<16xf32>
    tpu.vector_store %arg6[%swap3A_112], %swap3A_115 {strides = array<i32>} : memref<640xf32, #tpu.memory_space<vmem>>, vector<16xf32>,
    %swap3A_116 = arith.constant 400 : index
    %swap3A_117 = tpu.vector_load %arg6[%swap3A_116] {strides = array<i32>} : memref<640xf32, #tpu.memory_space<vmem>>, vector<16xf32>,
    %swap3A_118 = vector.shape_cast %swap3A_117 : vector<16xf32> to vector<16xf32>
    %swap3A_119 = vector.shape_cast %broadcast_in_dim3A_0 : vector<16xf32> to vector<16xf32>
    tpu.vector_store %arg6[%swap3A_116], %swap3A_119 {strides = array<i32>} : memref<640xf32, #tpu.memory_space<vmem>>, vector<16xf32>,
    %swap3A_120 = arith.constant 416 : index
    %swap3A_121 = tpu.vector_load %arg6[%swap3A_120] {strides = array<i32>} : memref<640xf32, #tpu.memory_space<vmem>>, vector<16xf32>,
    %swap3A_122 = vector.shape_cast %swap3A_121 : vector<16xf32> to vector<16xf32>
    %swap3A_123 = vector.shape_cast %broadcast_in_dim3A_0 : vector<16xf32> to vector<16xf32>
    tpu.vector_store %arg6[%swap3A_120], %swap3A_123 {strides = array<i32>} : memref<640xf32, #tpu.memory_space<vmem>>, vector<16xf32>,
    %swap3A_124 = arith.constant 432 : index
    %swap3A_125 = tpu.vector_load %arg6[%swap3A_124] {strides = array<i32>} : memref<640xf32, #tpu.memory_space<vmem>>, vector<16xf32>,
    %swap3A_126 = vector.shape_cast %swap3A_125 : vector<16xf32> to vector<16xf32>
    %swap3A_127 = vector.shape_cast %broadcast_in_dim3A_0 : vector<16xf32> to vector<16xf32>
    tpu.vector_store %arg6[%swap3A_124], %swap3A_127 {strides = array<i32>} : memref<640xf32, #tpu.memory_space<vmem>>, vector<16xf32>,
    %swap3A_128 = arith.constant 448 : index
    %swap3A_129 = tpu.vector_load %arg6[%swap3A_128] {strides = array<i32>} : memref<640xf32, #tpu.memory_space<vmem>>, vector<16xf32>,
    %swap3A_130 = vector.shape_cast %swap3A_129 : vector<16xf32> to vector<16xf32>
    %swap3A_131 = vector.shape_cast %broadcast_in_dim3A_0 : vector<16xf32> to vector<16xf32>
    tpu.vector_store %arg6[%swap3A_128], %swap3A_131 {strides = array<i32>} : memref<640xf32, #tpu.memory_space<vmem>>, vector<16xf32>,
    %swap3A_132 = arith.constant 464 : index
    %swap3A_133 = tpu.vector_load %arg6[%swap3A_132] {strides = array<i32>} : memref<640xf32, #tpu.memory_space<vmem>>, vector<16xf32>,
    %swap3A_134 = vector.shape_cast %swap3A_133 : vector<16xf32> to vector<16xf32>
    %swap3A_135 = vector.shape_cast %broadcast_in_dim3A_0 : vector<16xf32> to vector<16xf32>
    tpu.vector_store %arg6[%swap3A_132], %swap3A_135 {strides = array<i32>} : memref<640xf32, #tpu.memory_space<vmem>>, vector<16xf32>,
    %swap3A_136 = arith.constant 480 : index
    %swap3A_137 = tpu.vector_load %arg6[%swap3A_136] {strides = array<i32>} : memref<640xf32, #tpu.memory_space<vmem>>, vector<16xf32>,
    %swap3A_138 = vector.shape_cast %swap3A_137 : vector<16xf32> to vector<16xf32>
    %swap3A_139 = vector.shape_cast %broadcast_in_dim3A_0 : vector<16xf32> to vector<16xf32>
    tpu.vector_store %arg6[%swap3A_136], %swap3A_139 {strides = array<i32>} : memref<640xf32, #tpu.memory_space<vmem>>, vector<16xf32>,
    %swap3A_140 = arith.constant 496 : index
    %swap3A_141 = tpu.vector_load %arg6[%swap3A_140] {strides = array<i32>} : memref<640xf32, #tpu.memory_space<vmem>>, vector<16xf32>,
    %swap3A_142 = vector.shape_cast %swap3A_141 : vector<16xf32> to vector<16xf32>
    %swap3A_143 = vector.shape_cast %broadcast_in_dim3A_0 : vector<16xf32> to vector<16xf32>
    tpu.vector_store %arg6[%swap3A_140], %swap3A_143 {strides = array<i32>} : memref<640xf32, #tpu.memory_space<vmem>>, vector<16xf32>,
    %swap3A_144 = arith.constant 512 : index
    %swap3A_145 = tpu.vector_load %arg6[%swap3A_144] {strides = array<i32>} : memref<640xf32, #tpu.memory_space<vmem>>, vector<16xf32>,
    %swap3A_146 = vector.shape_cast %swap3A_145 : vector<16xf32> to vector<16xf32>
    %swap3A_147 = vector.shape_cast %broadcast_in_dim3A_0 : vector<16xf32> to vector<16xf32>
    tpu.vector_store %arg6[%swap3A_144], %swap3A_147 {strides = array<i32>} : memref<640xf32, #tpu.memory_space<vmem>>, vector<16xf32>,
    %swap3A_148 = arith.constant 528 : index
    %swap3A_149 = tpu.vector_load %arg6[%swap3A_148] {strides = array<i32>} : memref<640xf32, #tpu.memory_space<vmem>>, vector<16xf32>,
    %swap3A_150 = vector.shape_cast %swap3A_149 : vector<16xf32> to vector<16xf32>
    %swap3A_151 = vector.shape_cast %broadcast_in_dim3A_0 : vector<16xf32> to vector<16xf32>
    tpu.vector_store %arg6[%swap3A_148], %swap3A_151 {strides = array<i32>} : memref<640xf32, #tpu.memory_space<vmem>>, vector<16xf32>,
    %swap3A_152 = arith.constant 544 : index
    %swap3A_153 = tpu.vector_load %arg6[%swap3A_152] {strides = array<i32>} : memref<640xf32, #tpu.memory_space<vmem>>, vector<16xf32>,
    %swap3A_154 = vector.shape_cast %swap3A_153 : vector<16xf32> to vector<16xf32>
    %swap3A_155 = vector.shape_cast %broadcast_in_dim3A_0 : vector<16xf32> to vector<16xf32>
    tpu.vector_store %arg6[%swap3A_152], %swap3A_155 {strides = array<i32>} : memref<640xf32, #tpu.memory_space<vmem>>, vector<16xf32>,
    %swap3A_156 = arith.constant 560 : index
    %swap3A_157 = tpu.vector_load %arg6[%swap3A_156] {strides = array<i32>} : memref<640xf32, #tpu.memory_space<vmem>>, vector<16xf32>,
    %swap3A_158 = vector.shape_cast %swap3A_157 : vector<16xf32> to vector<16xf32>
    %swap3A_159 = vector.shape_cast %broadcast_in_dim3A_0 : vector<16xf32> to vector<16xf32>
    tpu.vector_store %arg6[%swap3A_156], %swap3A_159 {strides = array<i32>} : memref<640xf32, #tpu.memory_space<vmem>>, vector<16xf32>,
    %swap3A_160 = arith.constant 576 : index
    %swap3A_161 = tpu.vector_load %arg6[%swap3A_160] {strides = array<i32>} : memref<640xf32, #tpu.memory_space<vmem>>, vector<16xf32>,
    %swap3A_162 = vector.shape_cast %swap3A_161 : vector<16xf32> to vector<16xf32>
    %swap3A_163 = vector.shape_cast %broadcast_in_dim3A_0 : vector<16xf32> to vector<16xf32>
    tpu.vector_store %arg6[%swap3A_160], %swap3A_163 {strides = array<i32>} : memref<640xf32, #tpu.memory_space<vmem>>, vector<16xf32>,
    %swap3A_164 = arith.constant 592 : index
    %swap3A_165 = tpu.vector_load %arg6[%swap3A_164] {strides = array<i32>} : memref<640xf32, #tpu.memory_space<vmem>>, vector<16xf32>,
    %swap3A_166 = vector.shape_cast %swap3A_165 : vector<16xf32> to vector<16xf32>
    %swap3A_167 = vector.shape_cast %broadcast_in_dim3A_0 : vector<16xf32> to vector<16xf32>
    tpu.vector_store %arg6[%swap3A_164], %swap3A_167 {strides = array<i32>} : memref<640xf32, #tpu.memory_space<vmem>>, vector<16xf32>,
    %swap3A_168 = arith.constant 608 : index
    %swap3A_169 = tpu.vector_load %arg6[%swap3A_168] {strides = array<i32>} : memref<640xf32, #tpu.memory_space<vmem>>, vector<16xf32>,
    %swap3A_170 = vector.shape_cast %swap3A_169 : vector<16xf32> to vector<16xf32>
    %swap3A_171 = vector.shape_cast %broadcast_in_dim3A_0 : vector<16xf32> to vector<16xf32>
    tpu.vector_store %arg6[%swap3A_168], %swap3A_171 {strides = array<i32>} : memref<640xf32, #tpu.memory_space<vmem>>, vector<16xf32>,
    %swap3A_172 = arith.constant 624 : index
    %swap3A_173 = tpu.vector_load %arg6[%swap3A_172] {strides = array<i32>} : memref<640xf32, #tpu.memory_space<vmem>>, vector<16xf32>,
    %swap3A_174 = vector.shape_cast %swap3A_173 : vector<16xf32> to vector<16xf32>
    %swap3A_175 = vector.shape_cast %broadcast_in_dim3A_0 : vector<16xf32> to vector<16xf32>
    tpu.vector_store %arg6[%swap3A_172], %swap3A_175 {strides = array<i32>} : memref<640xf32, #tpu.memory_space<vmem>>, vector<16xf32>,
    %mul3A = arith.constant 640 : i32
    %mul3A_176 = arith.muli %arg1, %mul3A : i32
    "tpu.region"() ({
      %run_scoped3A = tpu.sem_alloc : memref<!tpu.dma_semaphore, #tpu.memory_space<semaphore_mem>>
      %dma_start3A = tpu.memref_slice %arg7[%mul3A_176] : memref<10240xf32, #tpu.memory_space<vmem_shared>> -> memref<640xf32, #tpu.memory_space<vmem_shared>>
      %dma_start3A_191 = tpu.memref_slice %arg7[%mul3A_176] : memref<10240xf32, #tpu.memory_space<vmem_shared>> -> memref<640xf32, #tpu.memory_space<vmem_shared>>
      tpu.enqueue_dma source(%arg6 : memref<640xf32, #tpu.memory_space<vmem>>) target(%dma_start3A_191 : memref<640xf32, #tpu.memory_space<vmem_shared>>) target_semaphore(%run_scoped3A : memref<!tpu.dma_semaphore, #tpu.memory_space<semaphore_mem>>)
      %dma_wait3A = tpu.memref_slice %arg7[%mul3A_176] : memref<10240xf32, #tpu.memory_space<vmem_shared>> -> memref<640xf32, #tpu.memory_space<vmem_shared>>
      %dma_wait3A_192 = tpu.memref_slice %arg7[%mul3A_176] : memref<10240xf32, #tpu.memory_space<vmem_shared>> -> memref<640xf32, #tpu.memory_space<vmem_shared>>
      tpu.wait_dma2 semaphore(%run_scoped3A : memref<!tpu.dma_semaphore, #tpu.memory_space<semaphore_mem>>) src(%arg6 : memref<640xf32, #tpu.memory_space<vmem>>) dst(%dma_wait3A_192 : memref<640xf32, #tpu.memory_space<vmem_shared>>)
      tpu.yield
    }) : () -> ()
    %barrier3A = arith.constant 0 : index
    tpu.barrier barrier_id(%barrier3A)
    %mul3A_177 = arith.constant 16 : i32
    %mul3A_178 = arith.muli %arg0, %mul3A_177 : i32
    %add3A = arith.addi %mul3A_178, %arg1 : i32
    %mul3A_179 = arith.constant 80 : i32
    %mul3A_180 = arith.muli %add3A, %mul3A_179 : i32
    "tpu.region"() ({
      %run_scoped3A = tpu.sem_alloc : memref<!tpu.dma_semaphore, #tpu.memory_space<semaphore_mem>>
      %dma_start3A = arith.constant 0 : i32
      %dma_start3A_191 = tpu.memref_slice %arg2[%mul3A_180, %dma_start3A] : memref<2560x64xi32, #tpu.memory_space<hbm>> -> memref<80x64xi32, #tpu.memory_space<hbm>>
      %dma_start3A_192 = arith.constant 0 : i32
      %dma_start3A_193 = tpu.memref_slice %arg2[%mul3A_180, %dma_start3A_192] : memref<2560x64xi32, #tpu.memory_space<hbm>> -> memref<80x64xi32, #tpu.memory_space<hbm>>
      tpu.enqueue_dma source(%dma_start3A_193 : memref<80x64xi32, #tpu.memory_space<hbm>>) target(%arg4 : memref<80x64xi32, #tpu.memory_space<vmem>>) target_semaphore(%run_scoped3A : memref<!tpu.dma_semaphore, #tpu.memory_space<semaphore_mem>>)
      %dma_wait3A = arith.constant 0 : i32
      %dma_wait3A_194 = tpu.memref_slice %arg2[%mul3A_180, %dma_wait3A] : memref<2560x64xi32, #tpu.memory_space<hbm>> -> memref<80x64xi32, #tpu.memory_space<hbm>>
      %dma_wait3A_195 = arith.constant 0 : i32
      %dma_wait3A_196 = tpu.memref_slice %arg2[%mul3A_180, %dma_wait3A_195] : memref<2560x64xi32, #tpu.memory_space<hbm>> -> memref<80x64xi32, #tpu.memory_space<hbm>>
      tpu.wait_dma2 semaphore(%run_scoped3A : memref<!tpu.dma_semaphore, #tpu.memory_space<semaphore_mem>>) src(%dma_wait3A_196 : memref<80x64xi32, #tpu.memory_space<hbm>>) dst(%arg4 : memref<80x64xi32, #tpu.memory_space<vmem>>)
      tpu.yield
    }) : () -> ()
    %scan3A = arith.constant 0 : i32
    %scan3A_181 = arith.constant 0 : i32
    %scan3A_182 = arith.constant 80 : i32
    %scan3A_183 = arith.addi %scan3A_181, %scan3A_182 : i32
    %scan3A_184 = arith.constant 1 : i32
    scf.for %scan3A_191 = %scan3A_181 to %scan3A_183 step %scan3A_184  : i32 {
      "tpu.region"() ({
        %run_scoped3A = tpu.sem_alloc : memref<!tpu.dma_semaphore, #tpu.memory_space<semaphore_mem>>
        %dma_start3A = arith.constant 0 : i32
        %dma_start3A_192 = tpu.memref_slice %arg4[%scan3A_191, %dma_start3A] : memref<80x64xi32, #tpu.memory_space<vmem>> -> memref<1x64xi32, #tpu.memory_space<vmem>>
        %dma_start3A_193 = tpu.memref_squeeze %dma_start3A_192 : memref<1x64xi32, #tpu.memory_space<vmem>> -> memref<64xi32, #tpu.memory_space<vmem>>
        %dma_start3A_194 = arith.constant 0 : i32
        %dma_start3A_195 = tpu.memref_slice %arg7[%dma_start3A_194] : memref<10240xf32, #tpu.memory_space<vmem_shared>> -> memref<10240xf32, #tpu.memory_space<vmem_shared>>
        tpu.enqueue_indirect_dma source(%arg5 : memref<64xf32, #tpu.memory_space<vmem>>) target(%dma_start3A_195 : memref<10240xf32, #tpu.memory_space<vmem_shared>>) offsets(%dma_start3A_193 : memref<64xi32, #tpu.memory_space<vmem>>) semaphore(%run_scoped3A : memref<!tpu.dma_semaphore, #tpu.memory_space<semaphore_mem>>) {add = true}
        %dma_wait3A = arith.constant 0 : i32
        %dma_wait3A_196 = tpu.memref_slice %arg4[%scan3A_191, %dma_wait3A] : memref<80x64xi32, #tpu.memory_space<vmem>> -> memref<1x64xi32, #tpu.memory_space<vmem>>
        %dma_wait3A_197 = tpu.memref_squeeze %dma_wait3A_196 : memref<1x64xi32, #tpu.memory_space<vmem>> -> memref<64xi32, #tpu.memory_space<vmem>>
        %dma_wait3A_198 = arith.constant 0 : i32
        %dma_wait3A_199 = tpu.memref_slice %arg7[%dma_wait3A_198] : memref<10240xf32, #tpu.memory_space<vmem_shared>> -> memref<10240xf32, #tpu.memory_space<vmem_shared>>
        tpu.wait_indirect_dma semaphore(%run_scoped3A : memref<!tpu.dma_semaphore, #tpu.memory_space<semaphore_mem>>) src(%arg5 : memref<64xf32, #tpu.memory_space<vmem>>) dst(%dma_wait3A_199 : memref<10240xf32, #tpu.memory_space<vmem_shared>>)
        tpu.yield
      }) : () -> ()
    }
    %scan3A_185 = arith.constant 80 : i32
    %barrier3A_186 = arith.constant 0 : index
    tpu.barrier barrier_id(%barrier3A_186)
    %mul3A_187 = arith.constant 640 : i32
    %mul3A_188 = arith.muli %arg1, %mul3A_187 : i32
    %mul3A_189 = arith.constant 640 : i32
    %mul3A_190 = arith.muli %arg1, %mul3A_189 : i32
    "tpu.region"() ({
      %run_scoped3A = tpu.sem_alloc : memref<!tpu.dma_semaphore, #tpu.memory_space<semaphore_mem>>
      %dma_start3A = tpu.memref_slice %arg3[%arg0, %mul3A_190] : memref<2x10240xf32, #tpu.memory_space<hbm>> -> memref<1x640xf32, #tpu.memory_space<hbm>>
      %dma_start3A_191 = tpu.memref_squeeze %dma_start3A : memref<1x640xf32, #tpu.memory_space<hbm>> -> memref<640xf32, #tpu.memory_space<hbm>>
      %dma_start3A_192 = tpu.memref_slice %arg7[%mul3A_188] : memref<10240xf32, #tpu.memory_space<vmem_shared>> -> memref<640xf32, #tpu.memory_space<vmem_shared>>
      tpu.enqueue_dma source(%dma_start3A_192 : memref<640xf32, #tpu.memory_space<vmem_shared>>) target(%dma_start3A_191 : memref<640xf32, #tpu.memory_space<hbm>>) target_semaphore(%run_scoped3A : memref<!tpu.dma_semaphore, #tpu.memory_space<semaphore_mem>>)
      %dma_wait3A = tpu.memref_slice %arg3[%arg0, %mul3A_190] : memref<2x10240xf32, #tpu.memory_space<hbm>> -> memref<1x640xf32, #tpu.memory_space<hbm>>
      %dma_wait3A_193 = tpu.memref_squeeze %dma_wait3A : memref<1x640xf32, #tpu.memory_space<hbm>> -> memref<640xf32, #tpu.memory_space<hbm>>
      %dma_wait3A_194 = tpu.memref_slice %arg7[%mul3A_188] : memref<10240xf32, #tpu.memory_space<vmem_shared>> -> memref<640xf32, #tpu.memory_space<vmem_shared>>
      tpu.wait_dma2 semaphore(%run_scoped3A : memref<!tpu.dma_semaphore, #tpu.memory_space<semaphore_mem>>) src(%dma_wait3A_194 : memref<640xf32, #tpu.memory_space<vmem_shared>>) dst(%dma_wait3A_193 : memref<640xf32, #tpu.memory_space<hbm>>)
      tpu.yield
    }) : () -> ()
    return
  }
}

module attributes {stable_mosaic.version = 14 : i64} {
  func.func @_lin_body(%arg0: i32, %arg1: memref<5000x256xf32, #tpu.memory_space<vmem>>, %arg2: memref<256x256xf32, #tpu.memory_space<vmem>>, %arg3: memref<8x256xf32, #tpu.memory_space<vmem>>, %arg4: memref<2x5000xf32, #tpu.memory_space<vmem>>, %arg5: memref<2x5000xf32, #tpu.memory_space<vmem>>, %arg6: memref<5000x256xf32, #tpu.memory_space<vmem>>, %arg7: memref<5000x256xf32, #tpu.memory_space<vmem>>) attributes {dimension_semantics = [#tpu.dimension_semantics<arbitrary>], iteration_bounds = array<i64: 16>, scalar_prefetch = 0 : i64, scratch_operands = 0 : i64, tpu.core_type = #tpu.core_type<tc>, window_params = [{transform_indices = @transform_0, window_bounds = array<i64: 5000, 256>}, {pipeline_mode = #tpu.pipeline_mode<synchronous>, transform_indices = @transform_1, window_bounds = array<i64: 256, 256>}, {pipeline_mode = #tpu.pipeline_mode<synchronous>, transform_indices = @transform_2, window_bounds = array<i64: 8, 256>}, {pipeline_mode = #tpu.pipeline_mode<synchronous>, transform_indices = @transform_3, window_bounds = array<i64: 2, 5000>}, {pipeline_mode = #tpu.pipeline_mode<synchronous>, transform_indices = @transform_4, window_bounds = array<i64: 2, 5000>}, {transform_indices = @transform_5, window_bounds = array<i64: 5000, 256>}, {transform_indices = @transform_6, window_bounds = array<i64: 5000, 256>}]} {
    %jit3A = arith.constant 2 : i32
    %eq3A = arith.constant 0 : i32
    %eq3A_0 = arith.cmpi eq, %jit3A, %eq3A : i32
    %jit3A_1 = arith.constant 1 : i32
    %select_n3A = arith.select %eq3A_0, %jit3A_1, %jit3A : i32
    %rem3A = arith.remsi %arg0, %select_n3A : i32
    %ne3A = arith.constant 0 : i32
    %ne3A_2 = arith.cmpi ne, %rem3A, %ne3A : i32
    %lt3A = arith.constant 0 : i32
    %lt3A_3 = arith.cmpi slt, %rem3A, %lt3A : i32
    %lt3A_4 = arith.constant 0 : i32
    %lt3A_5 = arith.cmpi slt, %select_n3A, %lt3A_4 : i32
    %ne3A_6 = arith.xori %lt3A_3, %lt3A_5 : i1
    %and3A = arith.andi %ne3A_6, %ne3A_2 : i1
    %add3A = arith.addi %rem3A, %select_n3A : i32
    %select_n3A_7 = arith.select %and3A, %add3A, %rem3A : i32
    %get3A = arith.index_cast %select_n3A_7 : i32 to index
    %get3A_8 = arith.constant 0 : index
    %get3A_9 = vector.load %arg4[%get3A, %get3A_8] : memref<2x5000xf32, #tpu.memory_space<vmem>>, vector<1x5000xf32>
    %get3A_10 = vector.shape_cast %get3A_9 : vector<1x5000xf32> to vector<5000xf32>
    %get3A_11 = arith.index_cast %select_n3A_7 : i32 to index
    %get3A_12 = arith.constant 0 : index
    %get3A_13 = vector.load %arg5[%get3A_11, %get3A_12] : memref<2x5000xf32, #tpu.memory_space<vmem>>, vector<1x5000xf32>
    %get3A_14 = vector.shape_cast %get3A_13 : vector<1x5000xf32> to vector<5000xf32>
    %add3A_15 = arith.addf %get3A_10, %get3A_14 : vector<5000xf32>
    %sub3A = arith.constant 1.000000e+00 : f32
    %sub3A_16 = vector.broadcast %sub3A : f32 to vector<5000xf32>
    %sub3A_17 = arith.subf %add3A_15, %sub3A_16 : vector<5000xf32>
    %div3A = arith.constant 1.000000e+00 : f32
    %div3A_18 = vector.broadcast %div3A : f32 to vector<5000xf32>
    %div3A_19 = arith.divf %div3A_18, %sub3A_17 : vector<5000xf32>
    %get3A_20 = arith.constant 0 : index
    %get3A_21 = arith.constant 0 : index
    %get3A_22 = vector.load %arg1[%get3A_20, %get3A_21] : memref<5000x256xf32, #tpu.memory_space<vmem>>, vector<5000x256xf32>
    %get3A_23 = arith.constant 0 : index
    %get3A_24 = arith.constant 0 : index
    %get3A_25 = vector.load %arg2[%get3A_23, %get3A_24] : memref<256x256xf32, #tpu.memory_space<vmem>>, vector<256x256xf32>
    %dot_general3A = arith.constant dense<0.000000e+00> : vector<5000x256xf32>
    %dot_general3A_26 = tpu.matmul %get3A_22, %get3A_25, %dot_general3A {dimension_numbers = #tpu.dot_dimension_numbers<[1], [0], [0], [1], [0, 0, 1, 1], [], []>, transpose_lhs_hint = false} : vector<5000x256xf32>, vector<256x256xf32>, vector<5000x256xf32> -> vector<5000x256xf32>
    %broadcast_in_dim3A = vector.shape_cast %div3A_19 : vector<5000xf32> to vector<5000x1xf32>
    %mul3A = vector.broadcast %broadcast_in_dim3A : vector<5000x1xf32> to vector<5000x256xf32>
    %mul3A_27 = arith.mulf %dot_general3A_26, %mul3A : vector<5000x256xf32>
    %swap3A = arith.constant 0 : index
    %swap3A_28 = arith.constant 0 : index
    %swap3A_29 = vector.load %arg6[%swap3A, %swap3A_28] : memref<5000x256xf32, #tpu.memory_space<vmem>>, vector<5000x256xf32>
    tpu.vector_store %arg6[%swap3A, %swap3A_28], %mul3A_27 {strides = array<i32>} : memref<5000x256xf32, #tpu.memory_space<vmem>>, vector<5000x256xf32>,
    %get3A_30 = arith.constant 0 : index
    %get3A_31 = arith.constant 0 : index
    %get3A_32 = vector.load %arg3[%get3A_30, %get3A_31] : memref<8x256xf32, #tpu.memory_space<vmem>>, vector<1x256xf32>
    %add3A_33 = vector.broadcast %get3A_32 : vector<1x256xf32> to vector<5000x256xf32>
    %add3A_34 = arith.addf %mul3A_27, %add3A_33 : vector<5000x256xf32>
    %swap3A_35 = arith.constant 0 : index
    %swap3A_36 = arith.constant 0 : index
    %swap3A_37 = vector.load %arg7[%swap3A_35, %swap3A_36] : memref<5000x256xf32, #tpu.memory_space<vmem>>, vector<5000x256xf32>
    tpu.vector_store %arg7[%swap3A_35, %swap3A_36], %add3A_34 {strides = array<i32>} : memref<5000x256xf32, #tpu.memory_space<vmem>>, vector<5000x256xf32>,
    return
  }
  func.func @transform_0(%arg0: i32) -> (i32, i32) {
    %c0_i32 = arith.constant 0 : i32
    %c0_i32_0 = arith.constant 0 : i32
    return %arg0, %c0_i32 : i32, i32
  }
  func.func @transform_1(%arg0: i32) -> (i32, i32) {
    %c0_i32 = arith.constant 0 : i32
    %c0_i32_0 = arith.constant 0 : i32
    %c0_i32_1 = arith.constant 0 : i32
    return %c0_i32, %c0_i32_0 : i32, i32
  }
  func.func @transform_2(%arg0: i32) -> (i32, i32) {
    %c0_i32 = arith.constant 0 : i32
    %c0_i32_0 = arith.constant 0 : i32
    %c0_i32_1 = arith.constant 0 : i32
    return %c0_i32, %c0_i32_0 : i32, i32
  }
  func.func @transform_3(%arg0: i32) -> (i32, i32) {
    %c0_i32 = arith.constant 0 : i32
    %c0_i32_0 = arith.constant 0 : i32
    %c0_i32_1 = arith.constant 0 : i32
    return %c0_i32, %c0_i32_0 : i32, i32
  }
  func.func @transform_4(%arg0: i32) -> (i32, i32) {
    %c0_i32 = arith.constant 0 : i32
    %c0_i32_0 = arith.constant 0 : i32
    %c0_i32_1 = arith.constant 0 : i32
    return %c0_i32, %c0_i32_0 : i32, i32
  }
  func.func @transform_5(%arg0: i32) -> (i32, i32) {
    %c0_i32 = arith.constant 0 : i32
    %c0_i32_0 = arith.constant 0 : i32
    return %arg0, %c0_i32 : i32, i32
  }
  func.func @transform_6(%arg0: i32) -> (i32, i32) {
    %c0_i32 = arith.constant 0 : i32
    %c0_i32_0 = arith.constant 0 : i32
    return %arg0, %c0_i32 : i32, i32
  }
}

</mosaic_0001>

<sc_bundles>
// kernel: kernel.5.cloned.1.call-start
scs
__scs_entry_jumppad:
0x0: {  	(pc) =	sbr.rel $0x88, $3  }
0x1: {  	(tag) =	ssettag $0x0;
	lr =	simm.s32 $0x1  }
0x2: {  	[smem:$0x3F9D] =	sst lr;
	_ =	strace $0xD0000000  }
0x3: {  	_ = 	snop  }
0x4: {  	_ = 	snop  }
0x5: {  	_ = 	snop  }
0x6: {  	_ = 	snop  }
0x7: {  	_ = 	snop  }
__scs_overlays_trampoline_lowered:
0x8: {  	[smem:$0x3FAC] =	sst s0  }
0x9: {  	[smem:$0x3FAD] =	sst s1  }
0xa: {  	[smem:$0x3FAE] =	sst s2  }
0xb: {  	[smem:$0x3FAF] =	sst s3  }
0xc: {  	[smem:$0x3FB0] =	sst s4  }
0xd: {  	[smem:$0x3FB1] =	sst s5  }
0xe: {  	[smem:$0x3FB2] =	sst s6  }
0xf: {  	[smem:$0x3FB3] =	sst s7  }
0x10: {  	[smem:$0x3FB4] =	sst s8  }
0x11: {  	[smem:$0x3FB5] =	sst s9;
	s0 =	simm.s32 @!p0 $0x0  }
0x12: {  	s1 =	sld [smem:$0x3F9B];
	s0 =	simm.s32 @p0 $0x1  }
0x13: {  	[smem:$0x3FB6] =	sst s0;
	s0 =	simm.s32 @!p1 $0x0  }
0x14: {  	s2 =	sld [smem:$0x3F9A];
	s0 =	simm.s32 @p1 $0x1  }
0x15: {  	[smem:$0x3FB7] =	sst s0;
	s0 =	simm.s32 @!p2 $0x0  }
0x16: {  	s3 =	sld [smem:$0x3FDB];
	s0 =	simm.s32 @p2 $0x1  }
0x17: {  	s4 =	simm.s32 $0x1BF5;
	[smem:$0x3FB9] =	sst s0  }
0x18: {  	s0 =	sld [smem:$0x3F9C];
	_ =	swait.ge [sflag:s4], $0x0  }
0x19: {  	s7 =	sld [smem:$0x3F9D]  }
0x1a: {  	s8 =	sadd.s32 $0xFFFFE003, lr  }
0x1b: {  	s9 =	sadd.s32 $0xFFFFFEF7, lr;
	s5 =	simm.s32 $0xFFFFFFFF;
	p2 =	slt.u32 s8, $0xFFFFF086  }
0x1c: {  	p1 =	slt.u32 s9, $0xF7A;
	s5 =	simm.s32 @!p2 $0x0  }
0x1d: {  	s5 =	simm.s32 @p1 $0x1;
	p0 =	seq.s32 s7, s2  }
0x1e: {  	s7 =	smul.u32 @!p0 $0xF7A, s2;
	p2 =	seq.s32 @!p0 s5, $0x0  }
0x1f: {  	s9 =	smul.u32 $0xF7A, s1;
	s8 =	simm.s32 @!p0 $0x1BF5;
	p2 =	por !p2, p0  }
0x20: {  	[sflag:s8] =	ssyncset.s32 @!p0 $0xFFFFF086;
	s6 =	sadd.s32 @!p0 s3, s7;
	s7 =	simm.s32 @!p0 $0x108  }
0x21: {  	s3 =	sadd.s32 s3, s9;
	s6 =	sadd.s32 @!p0 $0x88, s6;
	s7 =	simm.s32 @p2 $0x1082  }
0x22: {  	[simem:s7], [sflag:s8] =	dma.local @!p0 [hbm:s6], $0xF7A  }
0x23: {  	s9 =	sor.u32 $0xD0000000, s2;
	s6 =	simm.s32 $0x108;
	_ =	swait.ge @!p0 [sflag:s8], $0x0  }
0x24: {  	s3 =	sadd.s32 $0x88, s3;
	s6 =	simm.s32 @!p1 $0x1082;
	[sflag:s4] =	ssyncset.s32 $0xFFFFF086  }
0x25: {  	[simem:s6], [sflag:s4] =	dma.local [hbm:s3], $0xF7A  }
0x26: {  	[smem:$0x3F9D] =	sst s1;
	(tag) =	ssettag s2;
	_ =	strace s9  }
0x27: {  	s1 =	sld [smem:$0x3FAD]  }
0x28: {  	s2 =	sld [smem:$0x3FAE]  }
0x29: {  	s4 =	sld [smem:$0x3FB0]  }
0x2a: {  	p0 =	seq.s32 s5, $0x0;
	s5 =	sld [smem:$0x3FB1]  }
0x2b: {  	s6 =	sld [smem:$0x3FB2]  }
0x2c: {  	s7 =	sld [smem:$0x3FB3]  }
0x2d: {  	s3 =	simm.s32 $0x108;
	s8 =	sld [smem:$0x3FB4]  }
0x2e: {  	s3 =	simm.s32 @!p0 $0x1082;
	s9 =	sld [smem:$0x3FB5]  }
0x2f: {  	lr =	sadd.s32 s0, s3;
	s0 =	sld [smem:$0x3FAC]  }
0x30: {  	s3 =	sld [smem:$0x3FAF]  }
0x31: {  	[smem:$0x3FB8] =	sst s10  }
0x32: {  	s10 =	sld [smem:$0x3FB6];
	_ =	sdelay $0x3  }
0x33: {  	p0 =	seq.s32 s10, $0x1;
	s10 =	sld [smem:$0x3FB8];
	_ =	sdelay $0x3  }
0x34: {  	[smem:$0x3FB8] =	sst s10  }
0x35: {  	s10 =	sld [smem:$0x3FB7];
	_ =	sdelay $0x3  }
0x36: {  	p1 =	seq.s32 s10, $0x1;
	s10 =	sld [smem:$0x3FB8];
	_ =	sdelay $0x3  }
0x37: {  	[smem:$0x3FB8] =	sst s10  }
0x38: {  	s10 =	sld [smem:$0x3FB9]  }
0x39: {  	_ = 	snop;
	(pc) =	sbr.ind lr, $3  }
0x3a: {  	_ = 	snop  }
0x3b: {  	_ = 	snop  }
0x3c: {  	p2 =	seq.s32 s10, $0x1;
	s10 =	sld [smem:$0x3FB8]  }
0x3d: {  	_ =	shalt  }
0x3e: {  	_ =	shalt  }
0x3f: {  	_ =	shalt  }
0x40: {  	_ =	shalt  }
0x41: {  	_ =	shalt  }
0x42: {  	_ =	shalt  }
0x43: {  	_ =	shalt  }
0x44: {  	_ =	shalt  }
0x45: {  	_ =	shalt  }
0x46: {  	_ =	shalt  }
0x47: {  	_ =	shalt  }
0x48: {  	_ =	shalt  }
0x49: {  	_ =	shalt  }
0x4a: {  	_ =	shalt  }
0x4b: {  	_ =	shalt  }
0x4c: {  	_ =	shalt  }
0x4d: {  	_ =	shalt  }
0x4e: {  	_ =	shalt  }
0x4f: {  	_ =	shalt  }
0x50: {  	_ =	shalt  }
0x51: {  	_ =	shalt  }
0x52: {  	_ =	shalt  }
0x53: {  	_ =	shalt  }
0x54: {  	_ =	shalt  }
0x55: {  	_ =	shalt  }
0x56: {  	_ =	shalt  }
0x57: {  	_ =	shalt  }
0x58: {  	_ =	shalt  }
0x59: {  	_ =	shalt  }
0x5a: {  	_ =	shalt  }
0x5b: {  	_ =	shalt  }
0x5c: {  	_ =	shalt  }
0x5d: {  	_ =	shalt  }
0x5e: {  	_ =	shalt  }
0x5f: {  	_ =	shalt  }
0x60: {  	_ =	shalt  }
0x61: {  	_ =	shalt  }
0x62: {  	_ =	shalt  }
0x63: {  	_ =	shalt  }
0x64: {  	_ =	shalt  }
0x65: {  	_ =	shalt  }
0x66: {  	_ =	shalt  }
0x67: {  	_ =	shalt  }
0x68: {  	_ =	shalt  }
0x69: {  	_ =	shalt  }
0x6a: {  	_ =	shalt  }
0x6b: {  	_ =	shalt  }
0x6c: {  	_ =	shalt  }
0x6d: {  	_ =	shalt  }
0x6e: {  	_ =	shalt  }
0x6f: {  	_ =	shalt  }
0x70: {  	_ =	shalt  }
0x71: {  	_ =	shalt  }
0x72: {  	_ =	shalt  }
0x73: {  	_ =	shalt  }
0x74: {  	_ =	shalt  }
0x75: {  	_ =	shalt  }
0x76: {  	_ =	shalt  }
0x77: {  	_ =	shalt  }
0x78: {  	_ =	shalt  }
0x79: {  	_ =	shalt  }
0x7a: {  	_ =	shalt  }
0x7b: {  	_ =	shalt  }
0x7c: {  	_ =	shalt  }
0x7d: {  	_ =	shalt  }
0x7e: {  	_ =	shalt  }
0x7f: {  	_ =	shalt  }
0x80: {  	_ =	shalt  }
0x81: {  	_ =	shalt  }
0x82: {  	_ =	shalt  }
0x83: {  	_ =	shalt  }
0x84: {  	_ =	shalt  }
0x85: {  	_ =	shalt  }
0x86: {  	_ =	shalt  }
0x87: {  	_ =	shalt  }
.Lfunc_end0:
.L_simem_size_0:
called_computation_lowered:
.L_overlay_start_0:
0x88: {  	s2 =	sld [smem:$0x3FD9]  }
0x89: {  	s3 =	sld [smem:$0x3FFE];
	_ =	sdelay $0x1  }
0x8a: {  	s1 =	srdreg.scid  }
0x8b: {  	s0 =	sand.u32 $0x1, s1  }
0x8c: {  	s17 =	sshll.u32 s0, $0xA;
	s2 =	sadd.s32 s3, s2  }
0x8d: {  	s2 =	sadd.s32 s2, s17  }
0x8e: {  	[smem:$0x3FC4] =	sst s2  }
0x8f: {  	_ = 	snop  }
0x90: {  	s2 =	sld [smem:$0x3FD0];
	(tm) =	ssettm $0x1  }
0x91: {  	s18 =	sld [smem:$0x3FFB];
	_ =	sdelay $0x3  }
0x92: {  	_ =	strace s18  }
0x93: {  	s3 =	sld [smem:$0x3FFC];
	_ =	sdelay $0x3  }
0x94: {  	_ =	strace s3  }
0x95: {  	s3 =	sld [smem:$0x3FFD];
	_ =	sdelay $0x3  }
0x96: {  	_ =	strace s3  }
0x97: {  	_ =	strace $0x8FFFFFFF  }
0x98: {  	s19 =	sld [smem:$0x3FDB];
	_ =	sdelay $0x1  }
0x99: {  	s4 =	simm.s32 $_scs_section_size  }
0x9a: {  	s5 =	simm.s32 $_size__tile_overlayer_lowered;
	s6 =	simm.s32 $_tile_overlayer_lowered  }
0x9b: {  	s22 =	simm.s32 $0x1BFF;
	s21 =	sshll.u32 s6, $0x1;
	s3 =	sadd.s32 s4, s19  }
0x9c: {  	s7 =	simm.s32 $0x0;
	s20 =	sshll.u32 s5, $0x1;
	s5 =	sadd.s32 s21, s3  }
0x9d: {  	[timem:s7], [sflag:s22] =	dma.local [hbm:s5], s20  }
0x9e: {  	_ =	swait.ge [sflag:s22], s20  }
0x9f: {  	s4 =	ssub.s32 $0x0, s20;
	[sflag:s22] =	ssyncset.done $0x0  }
0xa0: {  	[sflag:s22] =	ssyncadd.s32 s4;
	_ =	sdelay $0x1  }
0xa1: {  	s23 =	simm.s32 $0x1B8B  }
0xa2: {  	_ =	swait.ge [sflag:s23], $0x1  }
0xa3: {  	[sflag:s23] =	ssyncset.done $0x0  }
0xa4: {  	s25 =	simm.s32 $0x1B8E;
	s24 =	sld [smem:$0x3FFE];
	[sflag:s23] =	ssyncadd.s32 $0xFFFFFFFF  }
0xa5: {  	s26 =	simm.s32 $execute0_lowered;
	[smem:$0x3FD2] =	sst s25  }
0xa6: {  	s5 =	sshll.u32 s26, $0x1;
	_ =	strace $0x80000046;
	[dreg:$0x1] =	wrdreg $0xFFFFFFFF  }
0xa7: {  	s28 =	simm.s32 $_size_execute0_lowered;
	s3 =	sadd.s32 s3, s5;
	[dreg:$0x0] =	wrdreg $0x0  }
0xa8: {  	s5 =	sshll.u32 s28, $0x1;
	[dreg:$0x2] =	wrdreg s3  }
0xa9: {  	[dreg:$0x3] =	wrdreg s5  }
0xaa: {  	[dreg:$0x4] =	wrdreg $0xC0  }
0xab: {  	_ =	task [dreg:s7], $0x5FFFF  }
0xac: {  	[dreg:$0x1] =	wrdreg $0xFFFFFFFF  }
0xad: {  	[dreg:$0x0] =	wrdreg $0x60  }
0xae: {  	[dreg:$0x2] =	wrdreg s2  }
0xaf: {  	[dreg:$0x3] =	wrdreg s24  }
0xb0: {  	[dreg:$0x4] =	wrdreg $0x2B000  }
0xb1: {  	[dreg:$0x5] =	wrdreg $0x9  }
0xb2: {  	_ =	task.clear_ibuf [dreg:s7], $0x6FFFF;
	_ =	strace $0x90000046  }
0xb3: {  	s29 =	simm.s32 $0x9;
	_ =	strace $0x80000048  }
0xb4: {  	_ =	swait.ge [sflag:s29], $0x1  }
0xb5: {  	[sflag:s29] =	ssyncadd.s32 $0xFFFFFFFF  }
0xb6: {  	_ =	strace $0x90000048  }
0xb7: {  	_ =	sfence  }
0xb8: {  	s30 =	sld [smem:$0x0];
	_ =	sdelay $0x2  }
0xb9: {  	s31 =	sshll.u32 s1, $0xD;
	s1 =	sshrl.u32 s1, $0x2  }
0xba: {  	s3 =	sand.u32 $0x4000, s31;
	s1 =	sadd.s32 s1, s30  }
0xbb: {  	s0 =	sor.u32 s3, s0;
	s1 =	sshll.u32 s1, $0x11  }
0xbc: {  	s0 =	sor.u32 s1, s0  }
0xbd: {  	s0 =	sadd.s32 $0x8F2B, s0  }
0xbe: {  	[sflag:s0] =	ssyncadd.remote.s32 $0x1  }
0xbf: {  	_ =	sfence.sel $0xFFFF  }
0xc0: {  	[dreg:$0x0] =	wrdreg $0xFFFFFFFF;
	(pc) =	sbr.abs _section_cstart, $3  }
0xc1: {  	[dreg:$0x1] =	wrdreg $0xFFFFFFFF  }
0xc2: {  	_ =	task.clear_ibuf [dreg:s7], $0x2FFFF;
	_ =	strace $0x9FFFFFFF  }
0xc3: {  	(tm) =	ssettm $0x7FFFFFFF  }
tec
execute0_lowered:
.L_overlay_start_1:
0x0: {  	(tag) =	ssettag $0x1  }
0x1: {  	s5 =	rddreg [dreg:$0x0]  }
0x2: {  	s6 =	rddreg [dreg:$0x1]  }
0x3: {  	s1 =	rddreg [dreg:$0x2]  }
0x4: {  	s0 =	rddreg [dreg:$0x3];
	s3 =	simm.s32 $0x0;
	s4 =	srdreg.scid  }
0x5: {  	s2 =	stileid.u32;
	s14 =	simm.s32 $0x20;
	s15 =	simm.s32 $0x10  }
0x6: {  	s16 =	simm.s32 $0x0;
	[smem:$0x7FF] =	sst s3;
	s7 =	smul.u32 $0xA00, s2  }
0x7: {  	s4 =	sand.u32 $0x1, s4;
	s10 =	smul.u32 $0x500, s2;
	s12 =	sshll.u32 s2, $0x6  }
0x8: {  	_ =	strace $0x80000047;
	s8 =	sshll.u32 s4, $0x4;
	s9 =	ssub.s32 $0x2, s4  }
0x9: {  	s4 =	sshll.u32 s4, $0x7;
	s12 =	sor.u32 $0x1C01, s12;
	s8 =	sor.u32 s2, s8  }
0xa: {  	s11 =	sshrl.u32 s9, $0x1;
	s7 =	sshrl.u32 s7, $0x2;
	s10 =	sor.u32 s4, s10  }
0xb: {  	s8 =	smul.u32 $0x500, s8;
	s9 =	ssub.s32 s9, s11;
	s4 =	sadd.s32 s7, s1  }
0xc: {  	s31 =	sshrl.u32 s10, $0x3;
	s10 =	simm.s32 $0x40;
	s11 =	simm.s32 $0x2800  }
0xd: {  	s6 =	sadd.s32 s6, s31;
	s7 =	smax.u32 s9, $0x1;
	s9 =	simm.s32 $0x1  }
0xe: {  	v0 =	vimm.f32 $1.000000000e+00;
	s13 =	sshrl.u32 s4, $0x3;
	s5 =	sadd.s32 s5, s8;
	s8 =	simm.s32 $0x2880  }
.LBB2_1:
0xf: {  	[tilespmem:$0x2800] =	vst v0  }
0x10: {  	[tilespmem:$0x2810] =	vst v0  }
0x11: {  	[tilespmem:$0x2820] =	vst v0  }
0x12: {  	[tilespmem:$0x2830] =	vst v0  }
0x13: {  	[tilespmem:$0x2880] =	vst v0  }
0x14: {  	[tilespmem:$0x2890] =	vst v0  }
0x15: {  	[tilespmem:$0x28A0] =	vst v0  }
0x16: {  	[tilespmem:$0x28B0] =	vst v0  }
0x17: {  	[tilespmem:$0x28C0] =	vst v0  }
0x18: {  	[tilespmem:$0x28D0] =	vst v0  }
0x19: {  	[tilespmem:$0x28E0] =	vst v0  }
0x1a: {  	[tilespmem:$0x28F0] =	vst v0  }
0x1b: {  	[tilespmem:$0x2900] =	vst v0  }
0x1c: {  	[tilespmem:$0x2910] =	vst v0  }
0x1d: {  	[tilespmem:$0x2920] =	vst v0  }
0x1e: {  	[tilespmem:$0x2930] =	vst v0  }
0x1f: {  	[tilespmem:$0x2940] =	vst v0  }
0x20: {  	[tilespmem:$0x2950] =	vst v0  }
0x21: {  	[tilespmem:$0x2960] =	vst v0  }
0x22: {  	[tilespmem:$0x2970] =	vst v0  }
0x23: {  	[tilespmem:$0x2980] =	vst v0  }
0x24: {  	[tilespmem:$0x2990] =	vst v0  }
0x25: {  	[tilespmem:$0x29A0] =	vst v0  }
0x26: {  	[tilespmem:$0x29B0] =	vst v0  }
0x27: {  	[tilespmem:$0x29C0] =	vst v0  }
0x28: {  	[tilespmem:$0x29D0] =	vst v0  }
0x29: {  	[tilespmem:$0x29E0] =	vst v0  }
0x2a: {  	[tilespmem:$0x29F0] =	vst v0  }
0x2b: {  	[tilespmem:$0x2A00] =	vst v0  }
0x2c: {  	[tilespmem:$0x2A10] =	vst v0  }
0x2d: {  	[tilespmem:$0x2A20] =	vst v0  }
0x2e: {  	[tilespmem:$0x2A30] =	vst v0  }
0x2f: {  	[tilespmem:$0x2A40] =	vst v0  }
0x30: {  	[tilespmem:$0x2A50] =	vst v0  }
0x31: {  	[tilespmem:$0x2A60] =	vst v0  }
0x32: {  	[tilespmem:$0x2A70] =	vst v0  }
0x33: {  	[tilespmem:$0x2A80] =	vst v0  }
0x34: {  	[tilespmem:$0x2A90] =	vst v0  }
0x35: {  	[tilespmem:$0x2AA0] =	vst v0  }
0x36: {  	[tilespmem:$0x2AB0] =	vst v0  }
0x37: {  	[tilespmem:$0x2AC0] =	vst v0  }
0x38: {  	[tilespmem:$0x2AD0] =	vst v0  }
0x39: {  	[tilespmem:$0x2AE0] =	vst v0  }
0x3a: {  	[tilespmem:$0x2AF0] =	vst v0  }
0x3b: {  	[spmem:s4] =	stream.linear.scatter [tilespmem:s8], [sflag:$0x1], $0x280, $0x38;
	[tilespmem:$0x2D80] =	vst v63  }
0x3c: {  	_ =	swait.ge [sflag:s9], $0x280  }
0x3d: {  	[sflag:s9] =	ssyncset.done $0x0  }
0x3e: {  	[sflag:s9] =	ssyncadd.s32 $0xFFFFFD80  }
0x3f: {  	[bflag:$0x0] =	sbarrier.arrive $0xFFFF  }
0x40: {  	[tilespmem:s3], [sflag:$0x1] =	stream.linear.gather [hbm4b:s5+s3], $0x2800, $0x38;
	[tilespmem:$0x2D80] =	vst v63  }
0x41: {  	_ =	swait.ge [sflag:s9], $0x2800  }
0x42: {  	[sflag:s9] =	ssyncset.done $0x0  }
0x43: {  	s17 =	simm.s32 $0x0;
	[sflag:s9] =	ssyncadd.s32 $0xFFFFD800  }
0x44: {  	[spmem:s1] =	stream.indirect.scatter.add.f32 [tilespmem:s11], [sflag:$0x1], $0x1, s17, s10, $0xb8;
	[tilespmem:$0x2D80] =	vst v63  }
0x45: {  	_ =	swait.ge [sflag:s9], $0x40  }
0x46: {  	s17 =	simm.s32 $0x200;
	[sflag:s9] =	ssyncset.done $0x0  }
.LBB2_2:
0x47: {  	s18 =	sshra.s32 s17, $0x2;
	[sflag:s9] =	ssyncadd.s32 $0xFFFFFFC0;
	p0 =	sne.s32 s17, $0x9E00  }
0x48: {  	[spmem:s1] =	stream.indirect.scatter.add.f32 [tilespmem:s11], [sflag:$0x1], $0x1, s18, s10, $0xb8;
	[tilespmem:$0x2D80] =	vst v63  }
.Ltmp0:
0x49: {  	_ = 	snop;
	(pc) =	sbr.rel @p0 .LBB2_2-.Ltmp0, $4  }
0x4a: {  	_ = 	snop  }
0x4b: {  	s17 =	sadd.s32 $0x200, s17  }
0x4c: {  	_ =	swait.ge [sflag:s9], $0x40  }
0x4d: {  	[sflag:s9] =	ssyncset.done $0x0  }
0x4e: {  	s16 =	sadd.s32 $0x1, s16  }
0x4f: {  	[sflag:s9] =	ssyncadd.s32 $0xFFFFFFC0;
	p0 =	sne.s32 s16, s7  }
.Ltmp1:
0x50: {  	[bflag:$0x0] =	sbarrier.arrive $0xFFFF;
	(pc) =	sbr.rel @p0 .LBB2_1-.Ltmp1, $4  }
0x51: {  	[hbm:s6@s14], [sflag:s12] =	dma.strided [spmem:s13@s15], $0x50, s9, $0x10   }
0x52: {  	_ =	swait.ge [sflag:s9], $0x50  }
0x53: {  	[sflag:s9] =	ssyncset.done $0x0  }
0x54: {  	[sflag:s9] =	ssyncadd.s32 $0xFFFFFFB0  }
0x55: {  	_ =	sfence.sel $0x180000  }
0x56: {  	[bflag:$0x0] =	sbarrier.arrive $0xFFFF  }
0x57: {  	p0 =	sne.s32 s2, $0x0;
	_ =	strace $0x90000047  }
0x58: {  	s0 =	sadd.s32 @!p0 $0x100000, s0;
	[bflag:$0x2] =	sbarrier.arrive $0xFFFF  }
0x59: {  	[sflag:s0] =	ssyncadd.tile.s32 @!p0 $0x1;
	_ =	shalt  }
.Lfunc_end2:
_tile_overlayer_lowered:
.L_overlay_start_2:
0x5a: {  	(tag) =	ssettag $0x2  }
0x5b: {  	s0 =	rddreg [dreg:$0x0];
	s2 =	stileid.u32  }
0x5c: {  	s1 =	rddreg [dreg:$0x1];
	p0 =	sne.s32 s2, $0x0  }
0x5d: {  	s3 =	rddreg [dreg:$0x2];
	[bflag:$0x3] =	sbarrier.arrive $0xFFFF;
	s2 =	simm.s32 @!p0 $0x1C01  }
0x5e: {  	[timem:s3], [sflag:s2] =	dma.local @!p0 [hbm:s0], s1  }
0x5f: {  	s0 =	simm.s32 @!p0 $0x1  }
0x60: {  	_ =	swait.ge @!p0 [sflag:s0], s1  }
0x61: {  	s1 =	ssub.s32 @!p0 $0x0, s1;
	[sflag:s0] =	ssyncset.done @!p0 $0x0  }
0x62: {  	[sflag:s0] =	ssyncadd.s32 @!p0 s1  }
0x63: {  	[bflag:$0x3] =	sbarrier.arrive $0xFFFF  }
0x64: {  	_ =	shalt  }

// kernel: kernel.8.cloned.1.call-start
scs
__scs_entry_jumppad:
0x0: {  	(pc) =	sbr.rel $0x88, $3  }
0x1: {  	(tag) =	ssettag $0x0;
	lr =	simm.s32 $0x1  }
0x2: {  	[smem:$0x3F9D] =	sst lr;
	_ =	strace $0xD0000000  }
0x3: {  	_ = 	snop  }
0x4: {  	_ = 	snop  }
0x5: {  	_ = 	snop  }
0x6: {  	_ = 	snop  }
0x7: {  	_ = 	snop  }
__scs_overlays_trampoline_lowered:
0x8: {  	[smem:$0x3FAC] =	sst s0  }
0x9: {  	[smem:$0x3FAD] =	sst s1  }
0xa: {  	[smem:$0x3FAE] =	sst s2  }
0xb: {  	[smem:$0x3FAF] =	sst s3  }
0xc: {  	[smem:$0x3FB0] =	sst s4  }
0xd: {  	[smem:$0x3FB1] =	sst s5  }
0xe: {  	[smem:$0x3FB2] =	sst s6  }
0xf: {  	[smem:$0x3FB3] =	sst s7  }
0x10: {  	[smem:$0x3FB4] =	sst s8  }
0x11: {  	[smem:$0x3FB5] =	sst s9;
	s0 =	simm.s32 @!p0 $0x0  }
0x12: {  	s1 =	sld [smem:$0x3F9B];
	s0 =	simm.s32 @p0 $0x1  }
0x13: {  	[smem:$0x3FB6] =	sst s0;
	s0 =	simm.s32 @!p1 $0x0  }
0x14: {  	s2 =	sld [smem:$0x3F9A];
	s0 =	simm.s32 @p1 $0x1  }
0x15: {  	[smem:$0x3FB7] =	sst s0;
	s0 =	simm.s32 @!p2 $0x0  }
0x16: {  	s3 =	sld [smem:$0x3FDB];
	s0 =	simm.s32 @p2 $0x1  }
0x17: {  	s4 =	simm.s32 $0x1BF5;
	[smem:$0x3FB9] =	sst s0  }
0x18: {  	s0 =	sld [smem:$0x3F9C];
	_ =	swait.ge [sflag:s4], $0x0  }
0x19: {  	s7 =	sld [smem:$0x3F9D]  }
0x1a: {  	s8 =	sadd.s32 $0xFFFFE003, lr  }
0x1b: {  	s9 =	sadd.s32 $0xFFFFFEF7, lr;
	s5 =	simm.s32 $0xFFFFFFFF;
	p2 =	slt.u32 s8, $0xFFFFF086  }
0x1c: {  	p1 =	slt.u32 s9, $0xF7A;
	s5 =	simm.s32 @!p2 $0x0  }
0x1d: {  	s5 =	simm.s32 @p1 $0x1;
	p0 =	seq.s32 s7, s2  }
0x1e: {  	s7 =	smul.u32 @!p0 $0xF7A, s2;
	p2 =	seq.s32 @!p0 s5, $0x0  }
0x1f: {  	s9 =	smul.u32 $0xF7A, s1;
	s8 =	simm.s32 @!p0 $0x1BF5;
	p2 =	por !p2, p0  }
0x20: {  	[sflag:s8] =	ssyncset.s32 @!p0 $0xFFFFF086;
	s6 =	sadd.s32 @!p0 s3, s7;
	s7 =	simm.s32 @!p0 $0x108  }
0x21: {  	s3 =	sadd.s32 s3, s9;
	s6 =	sadd.s32 @!p0 $0x88, s6;
	s7 =	simm.s32 @p2 $0x1082  }
0x22: {  	[simem:s7], [sflag:s8] =	dma.local @!p0 [hbm:s6], $0xF7A  }
0x23: {  	s9 =	sor.u32 $0xD0000000, s2;
	s6 =	simm.s32 $0x108;
	_ =	swait.ge @!p0 [sflag:s8], $0x0  }
0x24: {  	s3 =	sadd.s32 $0x88, s3;
	s6 =	simm.s32 @!p1 $0x1082;
	[sflag:s4] =	ssyncset.s32 $0xFFFFF086  }
0x25: {  	[simem:s6], [sflag:s4] =	dma.local [hbm:s3], $0xF7A  }
0x26: {  	[smem:$0x3F9D] =	sst s1;
	(tag) =	ssettag s2;
	_ =	strace s9  }
0x27: {  	s1 =	sld [smem:$0x3FAD]  }
0x28: {  	s2 =	sld [smem:$0x3FAE]  }
0x29: {  	s4 =	sld [smem:$0x3FB0]  }
0x2a: {  	p0 =	seq.s32 s5, $0x0;
	s5 =	sld [smem:$0x3FB1]  }
0x2b: {  	s6 =	sld [smem:$0x3FB2]  }
0x2c: {  	s7 =	sld [smem:$0x3FB3]  }
0x2d: {  	s3 =	simm.s32 $0x108;
	s8 =	sld [smem:$0x3FB4]  }
0x2e: {  	s3 =	simm.s32 @!p0 $0x1082;
	s9 =	sld [smem:$0x3FB5]  }
0x2f: {  	lr =	sadd.s32 s0, s3;
	s0 =	sld [smem:$0x3FAC]  }
0x30: {  	s3 =	sld [smem:$0x3FAF]  }
0x31: {  	[smem:$0x3FB8] =	sst s10  }
0x32: {  	s10 =	sld [smem:$0x3FB6];
	_ =	sdelay $0x3  }
0x33: {  	p0 =	seq.s32 s10, $0x1;
	s10 =	sld [smem:$0x3FB8];
	_ =	sdelay $0x3  }
0x34: {  	[smem:$0x3FB8] =	sst s10  }
0x35: {  	s10 =	sld [smem:$0x3FB7];
	_ =	sdelay $0x3  }
0x36: {  	p1 =	seq.s32 s10, $0x1;
	s10 =	sld [smem:$0x3FB8];
	_ =	sdelay $0x3  }
0x37: {  	[smem:$0x3FB8] =	sst s10  }
0x38: {  	s10 =	sld [smem:$0x3FB9]  }
0x39: {  	_ = 	snop;
	(pc) =	sbr.ind lr, $3  }
0x3a: {  	_ = 	snop  }
0x3b: {  	_ = 	snop  }
0x3c: {  	p2 =	seq.s32 s10, $0x1;
	s10 =	sld [smem:$0x3FB8]  }
0x3d: {  	_ =	shalt  }
0x3e: {  	_ =	shalt  }
0x3f: {  	_ =	shalt  }
0x40: {  	_ =	shalt  }
0x41: {  	_ =	shalt  }
0x42: {  	_ =	shalt  }
0x43: {  	_ =	shalt  }
0x44: {  	_ =	shalt  }
0x45: {  	_ =	shalt  }
0x46: {  	_ =	shalt  }
0x47: {  	_ =	shalt  }
0x48: {  	_ =	shalt  }
0x49: {  	_ =	shalt  }
0x4a: {  	_ =	shalt  }
0x4b: {  	_ =	shalt  }
0x4c: {  	_ =	shalt  }
0x4d: {  	_ =	shalt  }
0x4e: {  	_ =	shalt  }
0x4f: {  	_ =	shalt  }
0x50: {  	_ =	shalt  }
0x51: {  	_ =	shalt  }
0x52: {  	_ =	shalt  }
0x53: {  	_ =	shalt  }
0x54: {  	_ =	shalt  }
0x55: {  	_ =	shalt  }
0x56: {  	_ =	shalt  }
0x57: {  	_ =	shalt  }
0x58: {  	_ =	shalt  }
0x59: {  	_ =	shalt  }
0x5a: {  	_ =	shalt  }
0x5b: {  	_ =	shalt  }
0x5c: {  	_ =	shalt  }
0x5d: {  	_ =	shalt  }
0x5e: {  	_ =	shalt  }
0x5f: {  	_ =	shalt  }
0x60: {  	_ =	shalt  }
0x61: {  	_ =	shalt  }
0x62: {  	_ =	shalt  }
0x63: {  	_ =	shalt  }
0x64: {  	_ =	shalt  }
0x65: {  	_ =	shalt  }
0x66: {  	_ =	shalt  }
0x67: {  	_ =	shalt  }
0x68: {  	_ =	shalt  }
0x69: {  	_ =	shalt  }
0x6a: {  	_ =	shalt  }
0x6b: {  	_ =	shalt  }
0x6c: {  	_ =	shalt  }
0x6d: {  	_ =	shalt  }
0x6e: {  	_ =	shalt  }
0x6f: {  	_ =	shalt  }
0x70: {  	_ =	shalt  }
0x71: {  	_ =	shalt  }
0x72: {  	_ =	shalt  }
0x73: {  	_ =	shalt  }
0x74: {  	_ =	shalt  }
0x75: {  	_ =	shalt  }
0x76: {  	_ =	shalt  }
0x77: {  	_ =	shalt  }
0x78: {  	_ =	shalt  }
0x79: {  	_ =	shalt  }
0x7a: {  	_ =	shalt  }
0x7b: {  	_ =	shalt  }
0x7c: {  	_ =	shalt  }
0x7d: {  	_ =	shalt  }
0x7e: {  	_ =	shalt  }
0x7f: {  	_ =	shalt  }
0x80: {  	_ =	shalt  }
0x81: {  	_ =	shalt  }
0x82: {  	_ =	shalt  }
0x83: {  	_ =	shalt  }
0x84: {  	_ =	shalt  }
0x85: {  	_ =	shalt  }
0x86: {  	_ =	shalt  }
0x87: {  	_ =	shalt  }
.Lfunc_end0:
.L_simem_size_0:
called_computation.1_lowered:
.L_overlay_start_0:
0x88: {  	s2 =	sld [smem:$0x3FD9]  }
0x89: {  	s3 =	sld [smem:$0x3FFE];
	_ =	sdelay $0x1  }
0x8a: {  	s1 =	srdreg.scid  }
0x8b: {  	s0 =	sand.u32 $0x1, s1  }
0x8c: {  	s17 =	sshll.u32 s0, $0xA;
	s2 =	sadd.s32 s3, s2  }
0x8d: {  	s2 =	sadd.s32 s2, s17  }
0x8e: {  	[smem:$0x3FC4] =	sst s2  }
0x8f: {  	_ = 	snop  }
0x90: {  	s2 =	sld [smem:$0x3FD0];
	(tm) =	ssettm $0x1  }
0x91: {  	s18 =	sld [smem:$0x3FFB];
	_ =	sdelay $0x3  }
0x92: {  	_ =	strace s18  }
0x93: {  	s3 =	sld [smem:$0x3FFC];
	_ =	sdelay $0x3  }
0x94: {  	_ =	strace s3  }
0x95: {  	s3 =	sld [smem:$0x3FFD];
	_ =	sdelay $0x3  }
0x96: {  	_ =	strace s3  }
0x97: {  	_ =	strace $0x8FFFFFFF  }
0x98: {  	s19 =	sld [smem:$0x3FDB];
	_ =	sdelay $0x1  }
0x99: {  	s4 =	simm.s32 $_scs_section_size  }
0x9a: {  	s5 =	simm.s32 $_size__tile_overlayer_lowered;
	s6 =	simm.s32 $_tile_overlayer_lowered  }
0x9b: {  	s22 =	simm.s32 $0x1BFF;
	s21 =	sshll.u32 s6, $0x1;
	s3 =	sadd.s32 s4, s19  }
0x9c: {  	s7 =	simm.s32 $0x0;
	s20 =	sshll.u32 s5, $0x1;
	s5 =	sadd.s32 s21, s3  }
0x9d: {  	[timem:s7], [sflag:s22] =	dma.local [hbm:s5], s20  }
0x9e: {  	_ =	swait.ge [sflag:s22], s20  }
0x9f: {  	s4 =	ssub.s32 $0x0, s20;
	[sflag:s22] =	ssyncset.done $0x0  }
0xa0: {  	[sflag:s22] =	ssyncadd.s32 s4;
	_ =	sdelay $0x1  }
0xa1: {  	s23 =	simm.s32 $0x1B8B  }
0xa2: {  	_ =	swait.ge [sflag:s23], $0x1  }
0xa3: {  	[sflag:s23] =	ssyncset.done $0x0  }
0xa4: {  	s25 =	simm.s32 $0x1B8E;
	s24 =	sld [smem:$0x3FFE];
	[sflag:s23] =	ssyncadd.s32 $0xFFFFFFFF  }
0xa5: {  	s26 =	simm.s32 $execute0_lowered;
	[smem:$0x3FD2] =	sst s25  }
0xa6: {  	s5 =	sshll.u32 s26, $0x1;
	_ =	strace $0x80000049;
	[dreg:$0x1] =	wrdreg $0xFFFFFFFF  }
0xa7: {  	s28 =	simm.s32 $_size_execute0_lowered;
	s3 =	sadd.s32 s3, s5;
	[dreg:$0x0] =	wrdreg $0x0  }
0xa8: {  	s5 =	sshll.u32 s28, $0x1;
	[dreg:$0x2] =	wrdreg s3  }
0xa9: {  	[dreg:$0x3] =	wrdreg s5  }
0xaa: {  	[dreg:$0x4] =	wrdreg $0xC0  }
0xab: {  	_ =	task [dreg:s7], $0x5FFFF  }
0xac: {  	[dreg:$0x1] =	wrdreg $0xFFFFFFFF  }
0xad: {  	[dreg:$0x0] =	wrdreg $0x60  }
0xae: {  	[dreg:$0x2] =	wrdreg s24  }
0xaf: {  	[dreg:$0x3] =	wrdreg s2  }
0xb0: {  	[dreg:$0x4] =	wrdreg $0xAF800  }
0xb1: {  	[dreg:$0x5] =	wrdreg $0x9  }
0xb2: {  	_ =	task.clear_ibuf [dreg:s7], $0x6FFFF;
	_ =	strace $0x90000049  }
0xb3: {  	s29 =	simm.s32 $0x9;
	_ =	strace $0x8000004B  }
0xb4: {  	_ =	swait.ge [sflag:s29], $0x1  }
0xb5: {  	[sflag:s29] =	ssyncadd.s32 $0xFFFFFFFF  }
0xb6: {  	_ =	strace $0x9000004B  }
0xb7: {  	_ =	sfence  }
0xb8: {  	s30 =	sld [smem:$0x0];
	_ =	sdelay $0x2  }
0xb9: {  	s31 =	sshll.u32 s1, $0xD;
	s1 =	sshrl.u32 s1, $0x2  }
0xba: {  	s3 =	sand.u32 $0x4000, s31;
	s1 =	sadd.s32 s1, s30  }
0xbb: {  	s0 =	sor.u32 s3, s0;
	s1 =	sshll.u32 s1, $0x11  }
0xbc: {  	s0 =	sor.u32 s1, s0  }
0xbd: {  	s0 =	sadd.s32 $0x8F2B, s0  }
0xbe: {  	[sflag:s0] =	ssyncadd.remote.s32 $0x1  }
0xbf: {  	_ =	sfence.sel $0xFFFF  }
0xc0: {  	[dreg:$0x0] =	wrdreg $0xFFFFFFFF;
	(pc) =	sbr.abs _section_cstart, $3  }
0xc1: {  	[dreg:$0x1] =	wrdreg $0xFFFFFFFF  }
0xc2: {  	_ =	task.clear_ibuf [dreg:s7], $0x2FFFF;
	_ =	strace $0x9FFFFFFF  }
0xc3: {  	(tm) =	ssettm $0x7FFFFFFF  }
tec
execute0_lowered:
.L_overlay_start_1:
0x0: {  	(tag) =	ssettag $0x1  }
0x1: {  	s0 =	rddreg [dreg:$0x0]  }
0x2: {  	s2 =	rddreg [dreg:$0x2];
	s1 =	simm.s32 $0x0  }
0x3: {  	s20 =	srdreg.scid;
	s7 =	stileid.u32;
	s15 =	simm.s32 $0x20  }
0x4: {  	s19 =	simm.s32 $0x3780;
	s29 =	simm.s32 $0x1;
	s13 =	simm.s32 $0xAB00  }
0x5: {  	s14 =	simm.s32 $0x9780;
	s16 =	simm.s32 $0xAC80;
	s18 =	simm.s32 $0x9  }
0x6: {  	s9 =	simm.s32 $0xD;
	s10 =	simm.s32 $0x8;
	s11 =	simm.s32 $0xAF00  }
0x7: {  	s12 =	simm.s32 $0xE;
	[smem:$0x7FF] =	sst s1;
	s21 =	smul.u32 $0x4E2, s7  }
0x8: {  	s8 =	sand.u32 $0x1, s20;
	s6 =	sadd.s32 $0x276A00, s0;
	s5 =	smul.u32 $0x50000, s7  }
0x9: {  	s4 =	sadd.s32 $0x5A00, s0;
	s24 =	smul.u32 $0x28000, s7;
	s30 =	sadd.s32 $0x12C000, s2  }
0xa: {  	p0 =	seq.s32 s7, $0xF;
	_ =	strace $0x8000004A;
	[dreg:$0x5] =	wrdreg s4  }
0xb: {  	s20 =	simm.s32 $0x5;
	s1 =	simm.s32 $0x7;
	[dreg:$0x4] =	wrdreg s8  }
0xc: {  	s3 =	ssub.s32 $0x2, s8;
	s25 =	sshll.u32 s8, $0xA;
	[dreg:$0xa] =	wrdreg s30  }
0xd: {  	s4 =	simm.s32 $0x2;
	s8 =	simm.s32 $0x0;
	s22 =	sshrl.u32 s3, $0x1  }
0xe: {  	s0 =	sadd.s32 s21, s0;
	s26 =	sshrl.u32 s5, $0x2;
	s21 =	simm.s32 $0x4780  }
0xf: {  	s5 =	simm.s32 $0xAE80;
	s23 =	ssub.s32 s3, s22;
	s0 =	sadd.s32 $0xA00, s0  }
.Ltmp0:
0x10: {  	s3 =	sor.u32 s25, s24;
	[dreg:$0x6] =	wrdreg s0;
	(pc) =	sbr.rel .LBB2_1-.Ltmp0, $4  }
0x11: {  	s28 =	sadd.s32 s26, s2;
	s22 =	simm.s32 $0xAD80;
	[dreg:$0x7] =	wrdreg s3  }
0x12: {  	[dreg:$0x8] =	wrdreg s28;
	s0 =	sor.u32 $0x258000, s25;
	s31 =	smax.u32 s23, $0x1  }
0x13: {  	s25 =	simm.s32 $0x6780;
	s3 =	simm.s32 $0x3;
	[dreg:$0x9] =	wrdreg s0  }
0x14: {  	s23 =	simm.s32 $0xB;
	[dreg:$0xb] =	wrdreg s31;
	s0 =	simm.s32 $0x8780  }
.LBB2_6:
0x15: {  	s8 =	rddreg [dreg:$0xc]  }
0x16: {  	s7 =	rddreg [dreg:$0xb];
	s8 =	sadd.s32 $0x1, s8  }
0x17: {  	p1 =	sne.s32 s8, s7  }
.Ltmp1:
0x18: {  	_ = 	snop;
	(pc) =	sbr.rel @!p1 .LBB2_7-.Ltmp1, $1  }
0x19: {  	_ =	sdelay $0x3  }
.LBB2_1:
0x1a: {  	[dreg:$0xc] =	wrdreg s8;
	s7 =	simm.s32 $0x0  }
.Ltmp2:
0x1b: {  	s30 =	rddreg [dreg:$0x6];
	s31 =	simm.s32 $0x12;
	(pc) =	sbr.rel .LBB2_2-.Ltmp2, $4  }
0x1c: {  	[tilespmem:s7], [sflag:$0x12] =	stream.linear.gather [hbm4b:s30+s7], $0x2710, $0x38;
	[tilespmem:$0x1F100] =	vst v63  }
0x1d: {  	_ =	swait.ge [sflag:s31], $0x2710  }
0x1e: {  	[sflag:s31] =	ssyncset.done $0x0  }
0x1f: {  	s24 =	simm.s32 $0x0;
	[sflag:s31] =	ssyncadd.s32 $0xFFFFD8F0  }
.LBB2_5:
0x20: {  	_ =	swait.ge [sflag:s10], $0x1000  }
0x21: {  	[sflag:s10] =	ssyncset.done $0x0  }
0x22: {  	[sflag:s10] =	ssyncadd.s32 $0xFFFFF000  }
0x23: {  	[spmem:s2] =	stream.indirect.scatter.add.f32 [tilespmem:s14], [sflag:$0x10], $0x80, s11, s15, $0xb8;
	[tilespmem:$0x1F100] =	vst v63  }
0x24: {  	_ =	swait.ge [sflag:s12], $0x1000  }
0x25: {  	[sflag:s12] =	ssyncset.done $0x0  }
0x26: {  	[sflag:s12] =	ssyncadd.s32 $0xFFFFF000  }
0x27: {  	v1 =	vld [tilespmem:$0x2700];
	_ =	sdelay $0x4  }
0x28: {  	v2 =	vshll.u32 v1, $0x1  }
0x29: {  	v1 =	vshra.s32 v1, $0xE;
	v2 =	vand.u32 $0x7FFE, v2  }
0x2a: {  	s7 =	simm.s32 $0x10;
	[tilespmem:$0x1F080] =	vst v1;
	v0 =	vadd.s32 v0, v2  }
0x2b: {  	s8 =	simm.s32 $0x1F000;
	s17 =	simm.s32 $0x1E800;
	s24 =	simm.s32 $0xF;
	[tilespmem:$0x1F000] =	vst v0  }
0x2c: {  	[tilespmem:s17], [sflag:$0x11] =	stream.indirect.gather [hbm4b:s6+s7], $0x80, s8, s7, $0xb8;
	[tilespmem:$0x1F100] =	vst v63  }
0x2d: {  	_ =	swait.ge [sflag:s24], $0x1000  }
0x2e: {  	[sflag:s24] =	ssyncset.done $0x0  }
0x2f: {  	[sflag:s24] =	ssyncadd.s32 $0xFFFFF000  }
0x30: {  	_ =	swait.ge [sflag:s7], $0x1000  }
0x31: {  	[sflag:s7] =	ssyncset.done $0x0  }
0x32: {  	s26 =	simm.s32 $0x11;
	[sflag:s7] =	ssyncadd.s32 $0xFFFFF000  }
0x33: {  	_ =	swait.ge [sflag:s26], $0x800  }
0x34: {  	[sflag:s26] =	ssyncset.done $0x0  }
0x35: {  	s28 =	simm.s32 $0x1F080;
	s30 =	simm.s32 $0x13;
	[sflag:s26] =	ssyncadd.s32 $0xFFFFF800  }
0x36: {  	[spmem:s2] =	stream.indirect.scatter.add.f32 [tilespmem:s17], [sflag:$0x13], $0x80, s28, s7, $0xb8;
	[tilespmem:$0x1F100] =	vst v63  }
0x37: {  	_ =	swait.ge [sflag:s30], $0x800  }
0x38: {  	[sflag:s30] =	ssyncset.done $0x0  }
0x39: {  	[sflag:s30] =	ssyncadd.s32 $0xFFFFF800  }
0x3a: {  	[bflag:$0x0] =	sbarrier.arrive $0xFFFF  }
0x3b: {  	s8 =	simm.s32 @p0 $0x8;
	s28 =	rddreg [dreg:$0x1]  }
0x3c: {  	s24 =	simm.s32 @p0 $0x80;
	s26 =	simm.s32 @p0 $0x1FD2;
	s7 =	rddreg [dreg:$0xf]  }
0x3d: {  	s17 =	simm.s32 @p0 $0x100;
	s30 =	rddreg [dreg:$0xe];
	s7 =	sadd.s32 @p0 s28, s7  }
0x3e: {  	[hbm:s7@s17], [sflag:s26] =	dma.strided @p0 [spmem:s30@s24], $0x1900, s8, $0x10   }
0x3f: {  	s7 =	simm.s32 @p0 $0x12  }
0x40: {  	_ =	swait.ge @p0 [sflag:s7], $0x1900  }
0x41: {  	s8 =	simm.s32 @!p0 $0x8;
	[sflag:s7] =	ssyncset.done @p0 $0x0;
	s26 =	rddreg [dreg:$0x10]  }
0x42: {  	s17 =	simm.s32 @!p0 $0x100;
	[sflag:s7] =	ssyncadd.s32 @p0 $0xFFFFE700;
	s7 =	rddreg [dreg:$0x11]  }
0x43: {  	s24 =	simm.s32 @!p0 $0x80;
	s7 =	sadd.s32 @!p0 s28, s7;
	s28 =	rddreg [dreg:$0x12]  }
0x44: {  	[hbm:s7@s17], [sflag:s26] =	dma.strided @!p0 [spmem:s28@s24], $0x2800, s8, $0x10   }
0x45: {  	s7 =	simm.s32 @!p0 $0x13  }
0x46: {  	_ =	swait.ge @!p0 [sflag:s7], $0x2800  }
0x47: {  	s31 =	rddreg [dreg:$0xd]  }
0x48: {  	s24 =	sadd.s32 $0x1, s31  }
0x49: {  	p1 =	sne.s32 s24, $0x8  }
.Ltmp3:
0x4a: {  	_ = 	snop;
	(pc) =	sbr.rel @!p1 .LBB2_6-.Ltmp3, $3  }
0x4b: {  	_ =	sdelay $0x1  }
0x4c: {  	[sflag:s7] =	ssyncset.done @!p0 $0x0  }
0x4d: {  	[sflag:s7] =	ssyncadd.s32 @!p0 $0xFFFFD800  }
.LBB2_2:
0x4e: {  	v0 =	vld [tilespmem:$0x0];
	_ =	sdelay $0x1  }
0x4f: {  	v1 =	vld [tilespmem:$0x10];
	_ =	sdelay $0x1  }
0x50: {  	s7 =	smul.u32 $0x4E20, s24  }
0x51: {  	s8 =	rddreg [dreg:$0x4];
	v2 =	vshll.u32 v0, $0x1  }
0x52: {  	s7 =	sor.u32 s8, s7;
	v0 =	vshra.s32 v0, $0xE;
	v2 =	vand.u32 $0x7FFE, v2  }
0x53: {  	[tilespmem:$0xAB80] =	vst v0;
	v0 =	vadd.s32 s7, v2;
	v2 =	vshll.u32 v1, $0x1  }
0x54: {  	[tilespmem:$0xA780] =	vst v0;
	v0 =	vshra.s32 v1, $0xE;
	v1 =	vand.u32 $0x7FFE, v2  }
0x55: {  	[tilespmem:$0xAB90] =	vst v0;
	v0 =	vadd.s32 s7, v1  }
0x56: {  	s30 =	simm.s32 $0xA780;
	s17 =	simm.s32 $0x2780;
	[tilespmem:$0xA790] =	vst v0  }
0x57: {  	[tilespmem:s17], [sflag:$0x1] =	stream.indirect.gather [hbm4b:s6+s15], $0x80, s30, s15, $0xb8;
	[tilespmem:$0x1F100] =	vst v63  }
0x58: {  	v0 =	vld [tilespmem:$0x20];
	_ =	sdelay $0x1  }
0x59: {  	v1 =	vld [tilespmem:$0x30];
	_ =	sdelay $0x2  }
0x5a: {  	v2 =	vshll.u32 v0, $0x1  }
0x5b: {  	v0 =	vshra.s32 v0, $0xE;
	v2 =	vand.u32 $0x7FFE, v2  }
0x5c: {  	[tilespmem:$0xAC00] =	vst v0;
	v0 =	vadd.s32 s7, v2;
	v2 =	vshll.u32 v1, $0x1  }
0x5d: {  	[tilespmem:$0xA800] =	vst v0;
	v0 =	vshra.s32 v1, $0xE;
	v1 =	vand.u32 $0x7FFE, v2  }
0x5e: {  	[tilespmem:$0xAC10] =	vst v0;
	v0 =	vadd.s32 s7, v1  }
0x5f: {  	s31 =	simm.s32 $0xA800;
	[tilespmem:$0xA810] =	vst v0  }
0x60: {  	[tilespmem:s19], [sflag:$0x2] =	stream.indirect.gather [hbm4b:s6+s15], $0x80, s31, s15, $0xb8;
	[tilespmem:$0x1F100] =	vst v63  }
0x61: {  	v0 =	vld [tilespmem:$0x40];
	_ =	sdelay $0x1  }
0x62: {  	v1 =	vld [tilespmem:$0x50];
	_ =	sdelay $0x2  }
0x63: {  	v2 =	vshll.u32 v0, $0x1  }
0x64: {  	v0 =	vshra.s32 v0, $0xE;
	v2 =	vand.u32 $0x7FFE, v2  }
0x65: {  	[tilespmem:$0xAC80] =	vst v0;
	v0 =	vadd.s32 s7, v2;
	v2 =	vshll.u32 v1, $0x1  }
0x66: {  	[tilespmem:$0xA880] =	vst v0;
	v0 =	vshra.s32 v1, $0xE;
	v1 =	vand.u32 $0x7FFE, v2  }
0x67: {  	[tilespmem:$0xAC90] =	vst v0;
	v0 =	vadd.s32 s7, v1  }
0x68: {  	s17 =	simm.s32 $0xA880;
	[tilespmem:$0xA890] =	vst v0  }
0x69: {  	[tilespmem:s21], [sflag:$0x3] =	stream.indirect.gather [hbm4b:s6+s15], $0x80, s17, s15, $0xb8;
	[tilespmem:$0x1F100] =	vst v63  }
0x6a: {  	v0 =	vld [tilespmem:$0x60];
	_ =	sdelay $0x1  }
0x6b: {  	v1 =	vld [tilespmem:$0x70];
	_ =	sdelay $0x2  }
0x6c: {  	v2 =	vshll.u32 v0, $0x1  }
0x6d: {  	v0 =	vshra.s32 v0, $0xE;
	v2 =	vand.u32 $0x7FFE, v2  }
0x6e: {  	[tilespmem:$0xAD00] =	vst v0;
	v0 =	vadd.s32 s7, v2;
	v2 =	vshll.u32 v1, $0x1  }
0x6f: {  	[tilespmem:$0xA900] =	vst v0;
	v0 =	vshra.s32 v1, $0xE;
	v1 =	vand.u32 $0x7FFE, v2  }
0x70: {  	[tilespmem:$0xAD10] =	vst v0;
	v0 =	vadd.s32 s7, v1  }
0x71: {  	s26 =	simm.s32 $0x5780;
	s19 =	simm.s32 $0xA900;
	[tilespmem:$0xA910] =	vst v0  }
0x72: {  	[tilespmem:s26], [sflag:$0x4] =	stream.indirect.gather [hbm4b:s6+s15], $0x80, s19, s15, $0xb8;
	[tilespmem:$0x1F100] =	vst v63  }
0x73: {  	v0 =	vld [tilespmem:$0x80];
	_ =	sdelay $0x1  }
0x74: {  	v1 =	vld [tilespmem:$0x90];
	_ =	sdelay $0x2  }
0x75: {  	v2 =	vshll.u32 v0, $0x1  }
0x76: {  	v0 =	vshra.s32 v0, $0xE;
	v2 =	vand.u32 $0x7FFE, v2  }
0x77: {  	[tilespmem:$0xAD80] =	vst v0;
	v0 =	vadd.s32 s7, v2;
	v2 =	vshll.u32 v1, $0x1  }
0x78: {  	[tilespmem:$0xA980] =	vst v0;
	v0 =	vshra.s32 v1, $0xE;
	v1 =	vand.u32 $0x7FFE, v2  }
0x79: {  	[tilespmem:$0xAD90] =	vst v0;
	v0 =	vadd.s32 s7, v1  }
0x7a: {  	s28 =	simm.s32 $0xA980;
	[tilespmem:$0xA990] =	vst v0  }
0x7b: {  	[tilespmem:s25], [sflag:$0x5] =	stream.indirect.gather [hbm4b:s6+s15], $0x80, s28, s15, $0xb8;
	[tilespmem:$0x1F100] =	vst v63  }
0x7c: {  	v0 =	vld [tilespmem:$0xA0];
	_ =	sdelay $0x1  }
0x7d: {  	v1 =	vld [tilespmem:$0xB0]  }
0x7e: {  	[dreg:$0xd] =	wrdreg s24;
	s24 =	smul.u32 $0x271000, s24  }
0x7f: {  	s8 =	rddreg [dreg:$0x9]  }
0x80: {  	s26 =	sadd.s32 @p0 s24, s8;
	v2 =	vshll.u32 v0, $0x1  }
0x81: {  	s8 =	sshrl.u32 @p0 s26, $0x3;
	v0 =	vshra.s32 v0, $0xE;
	v2 =	vand.u32 $0x7FFE, v2  }
0x82: {  	[dreg:$0xf] =	wrdreg s8;
	[tilespmem:$0xAE00] =	vst v0;
	v0 =	vadd.s32 s7, v2;
	v2 =	vshll.u32 v1, $0x1  }
0x83: {  	s30 =	simm.s32 $0xAA00;
	s28 =	rddreg [dreg:$0x5];
	[tilespmem:$0xAA00] =	vst v0;
	v0 =	vshra.s32 v1, $0xE;
	v1 =	vand.u32 $0x7FFE, v2  }
0x84: {  	s31 =	simm.s32 $0x7780;
	s26 =	sadd.s32 @p0 s28, s8;
	s8 =	rddreg [dreg:$0xa];
	[tilespmem:$0xAE10] =	vst v0;
	v0 =	vadd.s32 s7, v1  }
0x85: {  	s17 =	simm.s32 @p0 $0x1FD3;
	s19 =	sshrl.u32 @p0 s8, $0x3;
	s8 =	simm.s32 @p0 $0x8;
	[tilespmem:$0xAA10] =	vst v0  }
0x86: {  	[tilespmem:s31], [sflag:$0x6] =	stream.indirect.gather [hbm4b:s6+s15], $0x80, s30, s15, $0xb8;
	[tilespmem:$0x1F100] =	vst v63  }
0x87: {  	[dreg:$0xe] =	wrdreg s19;
	s30 =	simm.s32 @p0 $0x80;
	s31 =	simm.s32 @p0 $0x100  }
0x88: {  	[spmem:s19@s30], [sflag:s17] =	dma.strided @p0 [hbm:s26@s31], $0x1900, s8, $0x10   }
0x89: {  	s17 =	simm.s32 @p0 $0x13  }
0x8a: {  	_ =	swait.ge @p0 [sflag:s17], $0x1900  }
0x8b: {  	[sflag:s17] =	ssyncset.done @p0 $0x0;
	s8 =	rddreg [dreg:$0x7]  }
0x8c: {  	s24 =	sadd.s32 @!p0 s8, s24;
	[sflag:s17] =	ssyncadd.s32 @p0 $0xFFFFE700;
	s8 =	stileid.u32  }
0x8d: {  	s24 =	sshrl.u32 @!p0 s24, $0x3;
	s17 =	sshll.u32 @!p0 s8, $0x6;
	s8 =	rddreg [dreg:$0x8]  }
0x8e: {  	s26 =	simm.s32 @!p0 $0x80;
	[dreg:$0x11] =	wrdreg s24;
	s30 =	sor.u32 @!p0 $0x1C13, s17  }
0x8f: {  	s24 =	sadd.s32 @!p0 s28, s24;
	s8 =	sshrl.u32 @!p0 s8, $0x3;
	[dreg:$0x10] =	wrdreg s30  }
0x90: {  	s17 =	simm.s32 @!p0 $0x8;
	s28 =	simm.s32 @!p0 $0x100;
	[dreg:$0x12] =	wrdreg s8  }
0x91: {  	[spmem:s8@s26], [sflag:s30] =	dma.strided @!p0 [hbm:s24@s28], $0x2800, s17, $0x10   }
0x92: {  	s17 =	simm.s32 @!p0 $0x13  }
0x93: {  	_ =	swait.ge @!p0 [sflag:s17], $0x2800  }
0x94: {  	[sflag:s17] =	ssyncset.done @!p0 $0x0  }
0x95: {  	[sflag:s17] =	ssyncadd.s32 @!p0 $0xFFFFD800  }
0x96: {  	v0 =	vmov s7;
	s7 =	simm.s32 $0x0;
	s19 =	simm.s32 $0x3780;
	[bflag:$0x0] =	sbarrier.arrive $0xFFFF  }
.LBB2_3:
0x97: {  	_ =	swait.ge [sflag:s29], $0x1000  }
0x98: {  	s8 =	simm.s32 $0x2780;
	[sflag:s29] =	ssyncset.done $0x0  }
0x99: {  	s17 =	simm.s32 $0xAB80;
	p1 =	seq.s32 s7, $0x0;
	[sflag:s29] =	ssyncadd.s32 $0xFFFFF000  }
0x9a: {  	[spmem:s2] =	stream.indirect.scatter.add.f32 [tilespmem:s8], [sflag:$0x9], $0x80, s17, s15, $0xb8;
	[tilespmem:$0x1F100] =	vst v63  }
0x9b: {  	s17 =	simm.s32 @!p1 $0xF  }
0x9c: {  	_ =	swait.ge @!p1 [sflag:s17], $0x1000  }
0x9d: {  	[sflag:s17] =	ssyncset.done @!p1 $0x0  }
0x9e: {  	s24 =	sshra.s32 s7, $0x2;
	[sflag:s17] =	ssyncadd.s32 @!p1 $0xFFFFF000  }
0x9f: {  	v1 =	vld [tilespmem:s24+$0xC0];
	_ =	sdelay $0x4  }
0xa0: {  	v2 =	vshll.u32 v1, $0x1  }
0xa1: {  	v1 =	vshra.s32 v1, $0xE;
	v2 =	vand.u32 $0x7FFE, v2  }
0xa2: {  	[tilespmem:$0xAE80] =	vst v1;
	v1 =	vadd.s32 v0, v2  }
0xa3: {  	[tilespmem:$0xAA80] =	vst v1  }
0xa4: {  	v1 =	vld [tilespmem:s24+$0xD0];
	_ =	sdelay $0x4  }
0xa5: {  	v2 =	vshll.u32 v1, $0x1  }
0xa6: {  	v1 =	vshra.s32 v1, $0xE;
	v2 =	vand.u32 $0x7FFE, v2  }
0xa7: {  	[tilespmem:$0xAE90] =	vst v1;
	v1 =	vadd.s32 v0, v2  }
0xa8: {  	s30 =	simm.s32 $0xAA80;
	[tilespmem:$0xAA90] =	vst v1  }
0xa9: {  	[tilespmem:s0], [sflag:$0x7] =	stream.indirect.gather [hbm4b:s6+s15], $0x80, s30, s15, $0xb8;
	[tilespmem:$0x1F100] =	vst v63  }
0xaa: {  	_ =	swait.ge [sflag:s4], $0x1000  }
0xab: {  	[sflag:s4] =	ssyncset.done $0x0  }
0xac: {  	s31 =	simm.s32 $0xAC00;
	s17 =	simm.s32 @!p1 $0x10;
	[sflag:s4] =	ssyncadd.s32 $0xFFFFF000  }
0xad: {  	[spmem:s2] =	stream.indirect.scatter.add.f32 [tilespmem:s19], [sflag:$0xA], $0x80, s31, s15, $0xb8;
	[tilespmem:$0x1F100] =	vst v63  }
0xae: {  	_ =	swait.ge @!p1 [sflag:s17], $0x1000  }
0xaf: {  	[sflag:s17] =	ssyncset.done @!p1 $0x0  }
0xb0: {  	[sflag:s17] =	ssyncadd.s32 @!p1 $0xFFFFF000  }
0xb1: {  	v1 =	vld [tilespmem:s24+$0xE0];
	_ =	sdelay $0x4  }
0xb2: {  	v2 =	vshll.u32 v1, $0x1  }
0xb3: {  	v1 =	vshra.s32 v1, $0xE;
	v2 =	vand.u32 $0x7FFE, v2  }
0xb4: {  	[tilespmem:$0xAF00] =	vst v1;
	v1 =	vadd.s32 v0, v2  }
0xb5: {  	[tilespmem:$0xAB00] =	vst v1  }
0xb6: {  	v1 =	vld [tilespmem:s24+$0xF0];
	_ =	sdelay $0x4  }
0xb7: {  	v2 =	vshll.u32 v1, $0x1  }
0xb8: {  	v1 =	vshra.s32 v1, $0xE;
	v2 =	vand.u32 $0x7FFE, v2  }
0xb9: {  	[tilespmem:$0xAF10] =	vst v1;
	v1 =	vadd.s32 v0, v2  }
0xba: {  	[tilespmem:$0xAB10] =	vst v1  }
0xbb: {  	[tilespmem:s14], [sflag:$0x8] =	stream.indirect.gather [hbm4b:s6+s15], $0x80, s13, s15, $0xb8;
	[tilespmem:$0x1F100] =	vst v63  }
0xbc: {  	_ =	swait.ge [sflag:s3], $0x1000  }
0xbd: {  	[sflag:s3] =	ssyncset.done $0x0  }
0xbe: {  	[sflag:s3] =	ssyncadd.s32 $0xFFFFF000  }
0xbf: {  	[spmem:s2] =	stream.indirect.scatter.add.f32 [tilespmem:s21], [sflag:$0xB], $0x80, s16, s15, $0xb8;
	[tilespmem:$0x1F100] =	vst v63  }
0xc0: {  	_ =	swait.ge [sflag:s18], $0x1000  }
0xc1: {  	p1 =	seq.s32 s7, $0x9800;
	[sflag:s18] =	ssyncset.done $0x0  }
0xc2: {  	s17 =	simm.s32 @p1 $0x4;
	[sflag:s18] =	ssyncadd.s32 $0xFFFFF000  }
0xc3: {  	_ =	swait.ge @p1 [sflag:s17], $0x1000  }
0xc4: {  	s31 =	simm.s32 @p1 $0x20;
	[sflag:s17] =	ssyncset.done @p1 $0x0  }
0xc5: {  	s26 =	simm.s32 @p1 $0x5780;
	[sflag:s17] =	ssyncadd.s32 @p1 $0xFFFFF000;
	s17 =	simm.s32 @p1 $0xAD00  }
0xc6: {  	[spmem:s2] =	stream.indirect.scatter.add.f32 @p1 [tilespmem:s26], [sflag:$0xC], $0x80, s17, s31, $0xb8;
	[tilespmem:$0x1F100] =	vst v63  }
0xc7: {  	s17 =	simm.s32 @p1 $0xA  }
0xc8: {  	_ =	swait.ge @p1 [sflag:s17], $0x1000  }
0xc9: {  	[sflag:s17] =	ssyncset.done @p1 $0x0  }
0xca: {  	s26 =	sshra.s32 @!p1 s7, $0x2;
	[sflag:s17] =	ssyncadd.s32 @p1 $0xFFFFF000  }
0xcb: {  	v1 =	vld @!p1 [tilespmem:s26+$0x100];
	_ =	sdelay $0x4  }
0xcc: {  	v2 =	vshll.u32 @!p1 v1, $0x1  }
0xcd: {  	v1 =	vshra.s32 @!p1 v1, $0xE;
	v2 =	vand.u32 @!p1 $0x7FFE, v2  }
0xce: {  	[tilespmem:$0xAB80] =	vst @!p1 v1;
	v1 =	vadd.s32 @!p1 v0, v2  }
0xcf: {  	[tilespmem:$0xA780] =	vst @!p1 v1  }
0xd0: {  	v1 =	vld @!p1 [tilespmem:s26+$0x110];
	_ =	sdelay $0x4  }
0xd1: {  	v2 =	vshll.u32 @!p1 v1, $0x1  }
0xd2: {  	v1 =	vshra.s32 @!p1 v1, $0xE;
	v2 =	vand.u32 @!p1 $0x7FFE, v2  }
0xd3: {  	[tilespmem:$0xAB90] =	vst @!p1 v1;
	v1 =	vadd.s32 @!p1 v0, v2  }
0xd4: {  	s28 =	simm.s32 @!p1 $0x20;
	s30 =	simm.s32 @!p1 $0x2780;
	s17 =	simm.s32 @!p1 $0xA780;
	[tilespmem:$0xA790] =	vst @!p1 v1  }
0xd5: {  	[tilespmem:s30], [sflag:$0x1] =	stream.indirect.gather @!p1 [hbm4b:s6+s28], $0x80, s17, s28, $0xb8;
	[tilespmem:$0x1F100] =	vst v63  }
0xd6: {  	s17 =	simm.s32 @!p1 $0x4  }
0xd7: {  	_ =	swait.ge @!p1 [sflag:s17], $0x1000  }
0xd8: {  	[sflag:s17] =	ssyncset.done @!p1 $0x0  }
0xd9: {  	s30 =	simm.s32 @!p1 $0x5780;
	[sflag:s17] =	ssyncadd.s32 @!p1 $0xFFFFF000;
	s17 =	simm.s32 @!p1 $0xAD00  }
0xda: {  	[spmem:s2] =	stream.indirect.scatter.add.f32 @!p1 [tilespmem:s30], [sflag:$0xC], $0x80, s17, s28, $0xb8;
	[tilespmem:$0x1F100] =	vst v63  }
0xdb: {  	s17 =	simm.s32 @!p1 $0xA  }
0xdc: {  	_ =	swait.ge @!p1 [sflag:s17], $0x1000  }
0xdd: {  	[sflag:s17] =	ssyncset.done @!p1 $0x0  }
0xde: {  	[sflag:s17] =	ssyncadd.s32 @!p1 $0xFFFFF000  }
0xdf: {  	v1 =	vld @!p1 [tilespmem:s26+$0x120];
	_ =	sdelay $0x4  }
0xe0: {  	v2 =	vshll.u32 @!p1 v1, $0x1  }
0xe1: {  	v1 =	vshra.s32 @!p1 v1, $0xE;
	v2 =	vand.u32 @!p1 $0x7FFE, v2  }
0xe2: {  	[tilespmem:$0xAC00] =	vst @!p1 v1;
	v1 =	vadd.s32 @!p1 v0, v2  }
0xe3: {  	[tilespmem:$0xA800] =	vst @!p1 v1  }
0xe4: {  	v1 =	vld @!p1 [tilespmem:s26+$0x130];
	_ =	sdelay $0x4  }
0xe5: {  	v2 =	vshll.u32 @!p1 v1, $0x1  }
0xe6: {  	v1 =	vshra.s32 @!p1 v1, $0xE;
	v2 =	vand.u32 @!p1 $0x7FFE, v2  }
0xe7: {  	[tilespmem:$0xAC10] =	vst @!p1 v1;
	v1 =	vadd.s32 @!p1 v0, v2  }
0xe8: {  	s8 =	simm.s32 @!p1 $0x3780;
	s17 =	simm.s32 @!p1 $0xA800;
	[tilespmem:$0xA810] =	vst @!p1 v1  }
0xe9: {  	[tilespmem:s8], [sflag:$0x2] =	stream.indirect.gather @!p1 [hbm4b:s6+s28], $0x80, s17, s28, $0xb8;
	[tilespmem:$0x1F100] =	vst v63  }
0xea: {  	_ =	swait.ge [sflag:s20], $0x1000  }
0xeb: {  	[sflag:s20] =	ssyncset.done $0x0  }
0xec: {  	[sflag:s20] =	ssyncadd.s32 $0xFFFFF000  }
0xed: {  	[spmem:s2] =	stream.indirect.scatter.add.f32 [tilespmem:s25], [sflag:$0xD], $0x80, s22, s15, $0xb8;
	[tilespmem:$0x1F100] =	vst v63  }
0xee: {  	_ =	swait.ge [sflag:s23], $0x1000  }
0xef: {  	[sflag:s23] =	ssyncset.done $0x0  }
0xf0: {  	s8 =	simm.s32 @p1 $0x6;
	[sflag:s23] =	ssyncadd.s32 $0xFFFFF000  }
0xf1: {  	_ =	swait.ge @p1 [sflag:s8], $0x1000  }
0xf2: {  	[sflag:s8] =	ssyncset.done @p1 $0x0  }
0xf3: {  	s17 =	simm.s32 @p1 $0x7780;
	[sflag:s8] =	ssyncadd.s32 @p1 $0xFFFFF000;
	s8 =	simm.s32 @p1 $0xAE00  }
0xf4: {  	[spmem:s2] =	stream.indirect.scatter.add.f32 @p1 [tilespmem:s17], [sflag:$0xE], $0x80, s8, s31, $0xb8;
	[tilespmem:$0x1F100] =	vst v63  }
0xf5: {  	s8 =	simm.s32 @p1 $0xC  }
0xf6: {  	_ =	swait.ge @p1 [sflag:s8], $0x1000  }
0xf7: {  	[sflag:s8] =	ssyncset.done @p1 $0x0  }
0xf8: {  	[sflag:s8] =	ssyncadd.s32 @p1 $0xFFFFF000  }
0xf9: {  	v1 =	vld @!p1 [tilespmem:s26+$0x140];
	_ =	sdelay $0x4  }
0xfa: {  	v2 =	vshll.u32 @!p1 v1, $0x1  }
0xfb: {  	v1 =	vshra.s32 @!p1 v1, $0xE;
	v2 =	vand.u32 @!p1 $0x7FFE, v2  }
0xfc: {  	[tilespmem:$0xAC80] =	vst @!p1 v1;
	v1 =	vadd.s32 @!p1 v0, v2  }
0xfd: {  	[tilespmem:$0xA880] =	vst @!p1 v1  }
0xfe: {  	v1 =	vld @!p1 [tilespmem:s26+$0x150];
	_ =	sdelay $0x4  }
0xff: {  	v2 =	vshll.u32 @!p1 v1, $0x1  }
0x100: {  	v1 =	vshra.s32 @!p1 v1, $0xE;
	v2 =	vand.u32 @!p1 $0x7FFE, v2  }
0x101: {  	[tilespmem:$0xAC90] =	vst @!p1 v1;
	v1 =	vadd.s32 @!p1 v0, v2  }
0x102: {  	s17 =	simm.s32 @!p1 $0x4780;
	s8 =	simm.s32 @!p1 $0xA880;
	[tilespmem:$0xA890] =	vst @!p1 v1  }
0x103: {  	[tilespmem:s17], [sflag:$0x3] =	stream.indirect.gather @!p1 [hbm4b:s6+s28], $0x80, s8, s28, $0xb8;
	[tilespmem:$0x1F100] =	vst v63  }
0x104: {  	s8 =	simm.s32 @!p1 $0x6  }
0x105: {  	_ =	swait.ge @!p1 [sflag:s8], $0x1000  }
0x106: {  	[sflag:s8] =	ssyncset.done @!p1 $0x0  }
0x107: {  	s17 =	simm.s32 @!p1 $0x7780;
	[sflag:s8] =	ssyncadd.s32 @!p1 $0xFFFFF000;
	s8 =	simm.s32 @!p1 $0xAE00  }
0x108: {  	[spmem:s2] =	stream.indirect.scatter.add.f32 @!p1 [tilespmem:s17], [sflag:$0xE], $0x80, s8, s28, $0xb8;
	[tilespmem:$0x1F100] =	vst v63  }
0x109: {  	s8 =	simm.s32 @!p1 $0xC  }
0x10a: {  	_ =	swait.ge @!p1 [sflag:s8], $0x1000  }
0x10b: {  	[sflag:s8] =	ssyncset.done @!p1 $0x0  }
0x10c: {  	[sflag:s8] =	ssyncadd.s32 @!p1 $0xFFFFF000  }
0x10d: {  	v1 =	vld @!p1 [tilespmem:s26+$0x160];
	_ =	sdelay $0x4  }
0x10e: {  	v2 =	vshll.u32 @!p1 v1, $0x1  }
0x10f: {  	v1 =	vshra.s32 @!p1 v1, $0xE;
	v2 =	vand.u32 @!p1 $0x7FFE, v2  }
0x110: {  	[tilespmem:$0xAD00] =	vst @!p1 v1;
	v1 =	vadd.s32 @!p1 v0, v2  }
0x111: {  	[tilespmem:$0xA900] =	vst @!p1 v1  }
0x112: {  	v1 =	vld @!p1 [tilespmem:s26+$0x170];
	_ =	sdelay $0x4  }
0x113: {  	v2 =	vshll.u32 @!p1 v1, $0x1  }
0x114: {  	v1 =	vshra.s32 @!p1 v1, $0xE;
	v2 =	vand.u32 @!p1 $0x7FFE, v2  }
0x115: {  	[tilespmem:$0xAD10] =	vst @!p1 v1;
	v1 =	vadd.s32 @!p1 v0, v2  }
0x116: {  	s8 =	simm.s32 @!p1 $0xA900;
	[tilespmem:$0xA910] =	vst @!p1 v1  }
0x117: {  	[tilespmem:s30], [sflag:$0x4] =	stream.indirect.gather @!p1 [hbm4b:s6+s28], $0x80, s8, s28, $0xb8;
	[tilespmem:$0x1F100] =	vst v63  }
0x118: {  	_ =	swait.ge [sflag:s1], $0x1000  }
0x119: {  	[sflag:s1] =	ssyncset.done $0x0  }
.Ltmp4:
0x11a: {  	[sflag:s1] =	ssyncadd.s32 $0xFFFFF000;
	(pc) =	sbr.rel @p1 .LBB2_5-.Ltmp4, $4  }
0x11b: {  	[spmem:s2] =	stream.indirect.scatter.add.f32 [tilespmem:s0], [sflag:$0xF], $0x80, s5, s15, $0xb8;
	[tilespmem:$0x1F100] =	vst v63  }
0x11c: {  	_ =	swait.ge [sflag:s9], $0x1000  }
0x11d: {  	[sflag:s9] =	ssyncset.done $0x0  }
0x11e: {  	[sflag:s9] =	ssyncadd.s32 $0xFFFFF000  }
0x11f: {  	v1 =	vld [tilespmem:s24+$0x180];
	_ =	sdelay $0x4  }
0x120: {  	v2 =	vshll.u32 v1, $0x1  }
0x121: {  	v1 =	vshra.s32 v1, $0xE;
	v2 =	vand.u32 $0x7FFE, v2  }
0x122: {  	[tilespmem:$0xAD80] =	vst v1;
	v1 =	vadd.s32 v0, v2  }
0x123: {  	[tilespmem:$0xA980] =	vst v1  }
0x124: {  	v1 =	vld [tilespmem:s24+$0x190];
	_ =	sdelay $0x4  }
0x125: {  	v2 =	vshll.u32 v1, $0x1  }
0x126: {  	v1 =	vshra.s32 v1, $0xE;
	v2 =	vand.u32 $0x7FFE, v2  }
0x127: {  	[tilespmem:$0xAD90] =	vst v1;
	v1 =	vadd.s32 v0, v2  }
0x128: {  	s8 =	simm.s32 $0xA980;
	[tilespmem:$0xA990] =	vst v1  }
0x129: {  	[tilespmem:s25], [sflag:$0x5] =	stream.indirect.gather [hbm4b:s6+s15], $0x80, s8, s15, $0xb8;
	[tilespmem:$0x1F100] =	vst v63  }
0x12a: {  	_ =	swait.ge [sflag:s10], $0x1000  }
0x12b: {  	[sflag:s10] =	ssyncset.done $0x0  }
0x12c: {  	[sflag:s10] =	ssyncadd.s32 $0xFFFFF000  }
0x12d: {  	[spmem:s2] =	stream.indirect.scatter.add.f32 [tilespmem:s14], [sflag:$0x10], $0x80, s11, s15, $0xb8;
	[tilespmem:$0x1F100] =	vst v63  }
0x12e: {  	_ =	swait.ge [sflag:s12], $0x1000  }
0x12f: {  	[sflag:s12] =	ssyncset.done $0x0  }
0x130: {  	[sflag:s12] =	ssyncadd.s32 $0xFFFFF000  }
0x131: {  	v1 =	vld [tilespmem:s24+$0x1A0];
	_ =	sdelay $0x4  }
0x132: {  	v2 =	vshll.u32 v1, $0x1  }
0x133: {  	v1 =	vshra.s32 v1, $0xE;
	v2 =	vand.u32 $0x7FFE, v2  }
0x134: {  	[tilespmem:$0xAE00] =	vst v1;
	v1 =	vadd.s32 v0, v2  }
0x135: {  	[tilespmem:$0xAA00] =	vst v1  }
0x136: {  	v1 =	vld [tilespmem:s24+$0x1B0];
	_ =	sdelay $0x4  }
.Ltmp5:
0x137: {  	v2 =	vshll.u32 v1, $0x1;
	(pc) =	sbr.rel .LBB2_3-.Ltmp5, $4  }
0x138: {  	v1 =	vshra.s32 v1, $0xE;
	v2 =	vand.u32 $0x7FFE, v2  }
0x139: {  	[tilespmem:$0xAE10] =	vst v1;
	v1 =	vadd.s32 v0, v2  }
0x13a: {  	s31 =	simm.s32 $0xAA00;
	s17 =	simm.s32 $0x7780;
	s7 =	sadd.s32 $0x400, s7;
	[tilespmem:$0xAA10] =	vst v1  }
0x13b: {  	[tilespmem:s17], [sflag:$0x6] =	stream.indirect.gather [hbm4b:s6+s15], $0x80, s31, s15, $0xb8;
	[tilespmem:$0x1F100] =	vst v63  }
.LBB2_7:
0x13c: {  	_ =	sfence.sel $0x180000  }
0x13d: {  	[bflag:$0x0] =	sbarrier.arrive $0xFFFF  }
0x13e: {  	_ =	strace $0x9000004A  }
0x13f: {  	s0 =	stileid.u32;
	[bflag:$0x2] =	sbarrier.arrive $0xFFFF  }
0x140: {  	p0 =	sne.s32 s0, $0x0;
	s0 =	rddreg [dreg:$0x3]  }
0x141: {  	s0 =	sadd.s32 @!p0 $0x100000, s0  }
0x142: {  	[sflag:s0] =	ssyncadd.tile.s32 @!p0 $0x1;
	_ =	shalt  }
.Lfunc_end2:
_tile_overlayer_lowered:
.L_overlay_start_2:
0x143: {  	(tag) =	ssettag $0x2  }
0x144: {  	s0 =	rddreg [dreg:$0x0];
	s2 =	stileid.u32  }
0x145: {  	s1 =	rddreg [dreg:$0x1];
	p0 =	sne.s32 s2, $0x0  }
0x146: {  	s3 =	rddreg [dreg:$0x2];
	[bflag:$0x3] =	sbarrier.arrive $0xFFFF;
	s2 =	simm.s32 @!p0 $0x1C12  }
0x147: {  	[timem:s3], [sflag:s2] =	dma.local @!p0 [hbm:s0], s1  }
0x148: {  	s0 =	simm.s32 @!p0 $0x12  }
0x149: {  	_ =	swait.ge @!p0 [sflag:s0], s1  }
0x14a: {  	s1 =	ssub.s32 @!p0 $0x0, s1;
	[sflag:s0] =	ssyncset.done @!p0 $0x0  }
0x14b: {  	[sflag:s0] =	ssyncadd.s32 @!p0 s1  }
0x14c: {  	[bflag:$0x3] =	sbarrier.arrive $0xFFFF  }
0x14d: {  	_ =	shalt  }

</sc_bundles>
